<compile_context>
chip_gen: v7x
topology: tpu7x:2x2x1
jax: 0.10.2.dev20260603
libtpu: 0.0.44.dev20260713+nightly
codegen_flags: <defaults>
</compile_context>

<pallas_src>
import functools

import jax
import jax.numpy as jnp
from jax import lax
from jax.experimental import pallas as pl
from jax.experimental.pallas import tpu as pltpu
from jax.experimental.pallas import tpu_sc as plsc

NUM_CORES = 2
NUM_SUBCORES = 16
NUM_WORKERS = NUM_CORES * NUM_SUBCORES
CHUNK = 1600
DETILE_W = 16384
DETILE_SLAB = DETILE_W // 4


def _detile_table(table_t, v, d):
    w = DETILE_W
    nblk = pl.cdiv(v, w)
    slab = w // 4

    def body(in_ref, out_ref):
        xtp = jax.lax.dot_general(
            in_ref[...], jnp.eye(d, 128, dtype=jnp.float32),
            (((0,), (0,)), ((), ())),
            preferred_element_type=jnp.float32)
        out = xtp[0:slab, :]
        for a in range(1, 4):
            out = out + jnp.roll(xtp[a * slab:(a + 1) * slab, :], a * d, 1)
        out_ref[...] = out

    return pl.pallas_call(
        body,
        grid=(nblk,),
        in_specs=[pl.BlockSpec((d, w), lambda i: (0, i))],
        out_specs=pl.BlockSpec((slab, 128), lambda i: (i, 0)),
        out_shape=jax.ShapeDtypeStruct((nblk * slab, 128), jnp.float32),
    )(table_t)


@functools.partial(jax.jit, static_argnums=(2,))
def _gather_rows(idx, table, out_shape):
    n = idx.shape[0]
    bsz, seq, d = out_shape
    v = table.shape[0]
    rows_per_chunk = CHUNK // seq
    b_per_w = n // NUM_WORKERS
    n_chunks = b_per_w // CHUNK

    tflat = _detile_table(table.T, v, d)
    t2 = tflat.reshape(-1, d)

    mesh = plsc.VectorSubcoreMesh(core_axis_name="c", subcore_axis_name="s")

    @functools.partial(
        pl.kernel,
        mesh=mesh,
        out_type=jax.ShapeDtypeStruct((bsz, seq, d), jnp.float32),
        scratch_types=[
            pltpu.VMEM((2, CHUNK), jnp.int32),
            pltpu.VMEM((2, CHUNK, d), jnp.float32),
            pltpu.SemaphoreType.DMA((2,)),
            pltpu.SemaphoreType.DMA((2,)),
        ],
        compiler_params=pltpu.CompilerParams(use_tc_tiling_on_sc=False),
    )
    def k(table_hbm, idx_hbm, out_hbm, idx_v, rows_v, sem_g, sem_o):
        wid = lax.axis_index("s") * NUM_CORES + lax.axis_index("c")
        base = wid * b_per_w
        row_base = wid * (b_per_w // seq)

        def start_gather(c, b):
            pltpu.sync_copy(idx_hbm.at[pl.ds(base + c * CHUNK, CHUNK)],
                            idx_v.at[b])
            pltpu.make_async_copy(
                table_hbm.at[idx_v.at[b]], rows_v.at[b], sem_g.at[b]).start()

        def wait_gather(b):
            pltpu.make_async_copy(
                table_hbm.at[idx_v.at[b]], rows_v.at[b], sem_g.at[b]).wait()

        def start_out(c, b):
            for j in range(rows_per_chunk):
                pltpu.make_async_copy(
                    rows_v.at[b, pl.ds(j * seq, seq)],
                    out_hbm.at[row_base + c * rows_per_chunk + j],
                    sem_o.at[b]).start()

        def wait_out(c, b):
            for j in range(rows_per_chunk):
                pltpu.make_async_copy(
                    rows_v.at[b, pl.ds(j * seq, seq)],
                    out_hbm.at[row_base + c * rows_per_chunk + j],
                    sem_o.at[b]).wait()

        start_gather(0, 0)

        def body(c, carry):
            b = lax.rem(c, 2)
            pb = lax.rem(c - 1, 2)

            @pl.when(c >= 2)
            def _():
                wait_out(c - 2, b)

            start_gather(c, b)
            wait_gather(pb)
            start_out(c - 1, pb)
            return carry

        lax.fori_loop(1, n_chunks, body, 0)

        bl = (n_chunks - 1) % 2
        wait_gather(bl)
        start_out(n_chunks - 1, bl)
        wait_out(n_chunks - 2, 1 - bl)
        wait_out(n_chunks - 1, bl)

    return k(t2, idx)


def kernel(token_ids, table):
    bsz, seq = token_ids.shape
    v, d = table.shape
    flat = token_ids.reshape(-1).astype(jnp.int32)
    w, slab = DETILE_W, DETILE_SLAB
    shift = slab.bit_length() - 1
    midx = ((flat & ~(w - 1)) + ((flat & (slab - 1)) << 2)
            + ((flat & (w - 1)) >> shift))
    return _gather_rows(midx, table, (bsz, seq, d))

# --- scband reference (transcript-rebuilt; emitter-appended) ---
"""Pipeline reference for scband-embedding-11458972746330 (READ-ONLY COPY).

The authoritative reference and input builder live on the scoring server;
editing this copy changes nothing except your own understanding.
"""

import jax, jax.numpy as jnp
import numpy as np

NUM_EMBEDDINGS = 1000000
EMBEDDING_DIM = 32
BATCH = 4096
SEQ_LEN = 200

def setup_inputs(seed: int = 0) -> dict:
    key = jax.random.key(seed)
    k1, k2 = jax.random.split(key)
    token_ids = jax.random.randint(k1, (BATCH, SEQ_LEN), 0, NUM_EMBEDDINGS, dtype=jnp.int64 if jax.config.jax_enable_x64 else jnp.int32)
    # trunc_normal init: normal clipped to [-3, 3], mean 0, std 1
    table = jnp.clip(jax.random.normal(k2, (NUM_EMBEDDINGS, EMBEDDING_DIM), dtype=jnp.float32), -3.0, 3.0)
    return {"token_ids": token_ids, "table": table}

def reference(token_ids, table):
    # Embedding lookup: advanced indexing gather, table[token_ids]
    return jnp.take(table, token_ids, axis=0)

if __name__ == "__main__":
    import jax
    _d = setup_inputs()
    print(jax.jit(kernel)(*tuple(_d.values())))

</pallas_src>

<mosaic_0001>
#map = affine_map<(d0, d1) -> (0, 0)>
#map1 = affine_map<(d0, d1) -> (0)>
#map2 = affine_map<(d0, d1) -> (0, 0, 0)>
module attributes {stable_mosaic.version = 14 : i64} {
  func.func @k(%arg0: i32, %arg1: i32, %arg2: memref<1015808x32xf32, #tpu.memory_space<hbm>>, %arg3: memref<819200xi32, #tpu.memory_space<hbm>>, %arg4: memref<4096x200x32xf32, #tpu.memory_space<hbm>>, %arg5: memref<2x1600xi32, #tpu.memory_space<vmem>>, %arg6: memref<2x1600x32xf32, #tpu.memory_space<vmem>>, %arg7: memref<2x!tpu.dma_semaphore, #tpu.memory_space<semaphore_mem>>, %arg8: memref<2x!tpu.dma_semaphore, #tpu.memory_space<semaphore_mem>>) attributes {dimension_semantics = [#tpu.dimension_semantics<core_parallel>, #tpu.dimension_semantics<subcore_parallel>], iteration_bounds = array<i64: 2, 16>, scalar_prefetch = 0 : i64, scratch_operands = 4 : i64, tpu.core_type = #tpu.core_type<sc_vector_subcore>, window_params = [{transform_indices = #map}, {transform_indices = #map1}, {transform_indices = #map2}]} {
    %mul3A = arith.constant 2 : i32
    %mul3A_0 = arith.muli %arg1, %mul3A : i32
    %add3A = arith.addi %mul3A_0, %arg0 : i32
    %mul3A_1 = arith.constant 25600 : i32
    %mul3A_2 = arith.muli %add3A, %mul3A_1 : i32
    %mul3A_3 = arith.constant 128 : i32
    %mul3A_4 = arith.muli %add3A, %mul3A_3 : i32
    %add3A_5 = arith.constant 0 : i32
    %add3A_6 = arith.addi %mul3A_2, %add3A_5 : i32
    %run_scoped3A = arith.constant 0 : i32
    "tpu.region"() ({
      %run_scoped3A_616 = tpu.sem_alloc : memref<!tpu.dma_semaphore, #tpu.memory_space<semaphore_mem>>
      %dma_start3A_617 = arith.constant 0 : i32
      %dma_start3A_618 = tpu.memref_slice %arg5[%run_scoped3A, %dma_start3A_617] : memref<2x1600xi32, #tpu.memory_space<vmem>> -> memref<1x1600xi32, #tpu.memory_space<vmem>>
      %dma_start3A_619 = tpu.memref_squeeze %dma_start3A_618 : memref<1x1600xi32, #tpu.memory_space<vmem>> -> memref<1600xi32, #tpu.memory_space<vmem>>
      %dma_start3A_620 = tpu.memref_slice %arg3[%add3A_6] : memref<819200xi32, #tpu.memory_space<hbm>> -> memref<1600xi32, #tpu.memory_space<hbm>>
      %dma_start3A_621 = arith.constant 0 : i32
      %dma_start3A_622 = tpu.memref_slice %arg5[%run_scoped3A, %dma_start3A_621] : memref<2x1600xi32, #tpu.memory_space<vmem>> -> memref<1x1600xi32, #tpu.memory_space<vmem>>
      %dma_start3A_623 = tpu.memref_squeeze %dma_start3A_622 : memref<1x1600xi32, #tpu.memory_space<vmem>> -> memref<1600xi32, #tpu.memory_space<vmem>>
      %dma_start3A_624 = tpu.memref_slice %arg3[%add3A_6] : memref<819200xi32, #tpu.memory_space<hbm>> -> memref<1600xi32, #tpu.memory_space<hbm>>
      tpu.enqueue_dma source(%dma_start3A_624 : memref<1600xi32, #tpu.memory_space<hbm>>) target(%dma_start3A_623 : memref<1600xi32, #tpu.memory_space<vmem>>) target_semaphore(%run_scoped3A_616 : memref<!tpu.dma_semaphore, #tpu.memory_space<semaphore_mem>>)
      %dma_wait3A_625 = arith.constant 0 : i32
      %dma_wait3A_626 = tpu.memref_slice %arg5[%run_scoped3A, %dma_wait3A_625] : memref<2x1600xi32, #tpu.memory_space<vmem>> -> memref<1x1600xi32, #tpu.memory_space<vmem>>
      %dma_wait3A_627 = tpu.memref_squeeze %dma_wait3A_626 : memref<1x1600xi32, #tpu.memory_space<vmem>> -> memref<1600xi32, #tpu.memory_space<vmem>>
      %dma_wait3A_628 = tpu.memref_slice %arg3[%add3A_6] : memref<819200xi32, #tpu.memory_space<hbm>> -> memref<1600xi32, #tpu.memory_space<hbm>>
      %dma_wait3A_629 = arith.constant 0 : i32
      %dma_wait3A_630 = tpu.memref_slice %arg5[%run_scoped3A, %dma_wait3A_629] : memref<2x1600xi32, #tpu.memory_space<vmem>> -> memref<1x1600xi32, #tpu.memory_space<vmem>>
      %dma_wait3A_631 = tpu.memref_squeeze %dma_wait3A_630 : memref<1x1600xi32, #tpu.memory_space<vmem>> -> memref<1600xi32, #tpu.memory_space<vmem>>
      %dma_wait3A_632 = tpu.memref_slice %arg3[%add3A_6] : memref<819200xi32, #tpu.memory_space<hbm>> -> memref<1600xi32, #tpu.memory_space<hbm>>
      tpu.wait_dma2 semaphore(%run_scoped3A_616 : memref<!tpu.dma_semaphore, #tpu.memory_space<semaphore_mem>>) src(%dma_wait3A_632 : memref<1600xi32, #tpu.memory_space<hbm>>) dst(%dma_wait3A_631 : memref<1600xi32, #tpu.memory_space<vmem>>)
      tpu.yield
    }) : () -> ()
    %dma_start3A = arith.constant 0 : i32
    %dma_start3A_7 = arith.constant 0 : i32
    %dma_start3A_8 = arith.constant 0 : i32
    %dma_start3A_9 = arith.constant 0 : i32
    %dma_start3A_10 = arith.constant 0 : i32
    %dma_start3A_11 = tpu.memref_slice %arg6[%dma_start3A_7, %dma_start3A_9, %dma_start3A_10] : memref<2x1600x32xf32, #tpu.memory_space<vmem>> -> memref<1x1600x32xf32, #tpu.memory_space<vmem>>
    %dma_start3A_12 = tpu.memref_squeeze %dma_start3A_11 : memref<1x1600x32xf32, #tpu.memory_space<vmem>> -> memref<1600x32xf32, #tpu.memory_space<vmem>>
    %dma_start3A_13 = arith.constant 0 : i32
    %dma_start3A_14 = tpu.memref_slice %arg5[%dma_start3A, %dma_start3A_13] : memref<2x1600xi32, #tpu.memory_space<vmem>> -> memref<1x1600xi32, #tpu.memory_space<vmem>>
    %dma_start3A_15 = tpu.memref_squeeze %dma_start3A_14 : memref<1x1600xi32, #tpu.memory_space<vmem>> -> memref<1600xi32, #tpu.memory_space<vmem>>
    %dma_start3A_16 = arith.constant 0 : i32
    %dma_start3A_17 = arith.constant 0 : i32
    %dma_start3A_18 = tpu.memref_slice %arg2[%dma_start3A_16, %dma_start3A_17] : memref<1015808x32xf32, #tpu.memory_space<hbm>> -> memref<1015808x32xf32, #tpu.memory_space<hbm>>
    %dma_start3A_19 = tpu.memref_slice %arg7[%dma_start3A_8] : memref<2x!tpu.dma_semaphore, #tpu.memory_space<semaphore_mem>> -> memref<1x!tpu.dma_semaphore, #tpu.memory_space<semaphore_mem>>
    %dma_start3A_20 = tpu.memref_squeeze %dma_start3A_19 : memref<1x!tpu.dma_semaphore, #tpu.memory_space<semaphore_mem>> -> memref<!tpu.dma_semaphore, #tpu.memory_space<semaphore_mem>>
    tpu.enqueue_indirect_dma source(%dma_start3A_18 : memref<1015808x32xf32, #tpu.memory_space<hbm>>) target(%dma_start3A_12 : memref<1600x32xf32, #tpu.memory_space<vmem>>) offsets(%dma_start3A_15 : memref<1600xi32, #tpu.memory_space<vmem>>) semaphore(%dma_start3A_20 : memref<!tpu.dma_semaphore, #tpu.memory_space<semaphore_mem>>)
    %scan3A = arith.constant 0 : i32
    %scan3A_21 = arith.constant 1 : i32
    %scan3A_22 = arith.constant 15 : i32
    %scan3A_23 = arith.addi %scan3A_21, %scan3A_22 : i32
    %scan3A_24 = arith.constant 1 : i32
    scf.for %scan3A_616 = %scan3A_21 to %scan3A_23 step %scan3A_24  : i32 {
      %rem3A = arith.constant 2 : i32
      %rem3A_617 = arith.remsi %scan3A_616, %rem3A : i32
      %sub3A = arith.constant 1 : i32
      %sub3A_618 = arith.subi %scan3A_616, %sub3A : i32
      %rem3A_619 = arith.constant 2 : i32
      %rem3A_620 = arith.remsi %sub3A_618, %rem3A_619 : i32
      %ge3A = arith.constant 2 : i32
      %ge3A_621 = arith.cmpi sge, %scan3A_616, %ge3A : i32
      %convert_element_type3A = arith.extui %ge3A_621 : i1 to i32
      %cond3A = arith.constant 0 : i32
      %cond3A_622 = arith.cmpi ne, %convert_element_type3A, %cond3A : i32
      scf.if %cond3A_622 {
        %sub3A_836 = arith.constant 2 : i32
        %sub3A_837 = arith.subi %scan3A_616, %sub3A_836 : i32
        %mul3A_838 = arith.constant 8 : i32
        %mul3A_839 = arith.muli %sub3A_837, %mul3A_838 : i32
        %add3A_840 = arith.addi %mul3A_4, %mul3A_839 : i32
        %add3A_841 = arith.constant 0 : i32
        %add3A_842 = arith.addi %add3A_840, %add3A_841 : i32
        %dma_wait3A_843 = arith.constant 0 : i32
        %dma_wait3A_844 = arith.constant 0 : i32
        %dma_wait3A_845 = tpu.memref_slice %arg6[%rem3A_617, %dma_wait3A_843, %dma_wait3A_844] : memref<2x1600x32xf32, #tpu.memory_space<vmem>> -> memref<1x200x32xf32, #tpu.memory_space<vmem>>
        %dma_wait3A_846 = tpu.memref_squeeze %dma_wait3A_845 : memref<1x200x32xf32, #tpu.memory_space<vmem>> -> memref<200x32xf32, #tpu.memory_space<vmem>>
        %dma_wait3A_847 = arith.constant 0 : i32
        %dma_wait3A_848 = arith.constant 0 : i32
        %dma_wait3A_849 = tpu.memref_slice %arg4[%add3A_842, %dma_wait3A_847, %dma_wait3A_848] : memref<4096x200x32xf32, #tpu.memory_space<hbm>> -> memref<1x200x32xf32, #tpu.memory_space<hbm>>
        %dma_wait3A_850 = tpu.memref_squeeze %dma_wait3A_849 : memref<1x200x32xf32, #tpu.memory_space<hbm>> -> memref<200x32xf32, #tpu.memory_space<hbm>>
        %dma_wait3A_851 = tpu.memref_slice %arg8[%rem3A_617] : memref<2x!tpu.dma_semaphore, #tpu.memory_space<semaphore_mem>> -> memref<1x!tpu.dma_semaphore, #tpu.memory_space<semaphore_mem>>
        %dma_wait3A_852 = tpu.memref_squeeze %dma_wait3A_851 : memref<1x!tpu.dma_semaphore, #tpu.memory_space<semaphore_mem>> -> memref<!tpu.dma_semaphore, #tpu.memory_space<semaphore_mem>>
        %dma_wait3A_853 = arith.constant 0 : i32
        %dma_wait3A_854 = arith.constant 0 : i32
        %dma_wait3A_855 = tpu.memref_slice %arg4[%add3A_842, %dma_wait3A_853, %dma_wait3A_854] : memref<4096x200x32xf32, #tpu.memory_space<hbm>> -> memref<1x200x32xf32, #tpu.memory_space<hbm>>
        %dma_wait3A_856 = tpu.memref_squeeze %dma_wait3A_855 : memref<1x200x32xf32, #tpu.memory_space<hbm>> -> memref<200x32xf32, #tpu.memory_space<hbm>>
        %dma_wait3A_857 = arith.constant 0 : i32
        %dma_wait3A_858 = arith.constant 0 : i32
        %dma_wait3A_859 = tpu.memref_slice %arg6[%rem3A_617, %dma_wait3A_857, %dma_wait3A_858] : memref<2x1600x32xf32, #tpu.memory_space<vmem>> -> memref<1x200x32xf32, #tpu.memory_space<vmem>>
        %dma_wait3A_860 = tpu.memref_squeeze %dma_wait3A_859 : memref<1x200x32xf32, #tpu.memory_space<vmem>> -> memref<200x32xf32, #tpu.memory_space<vmem>>
        tpu.wait_dma2 semaphore(%dma_wait3A_852 : memref<!tpu.dma_semaphore, #tpu.memory_space<semaphore_mem>>) src(%dma_wait3A_860 : memref<200x32xf32, #tpu.memory_space<vmem>>) dst(%dma_wait3A_856 : memref<200x32xf32, #tpu.memory_space<hbm>>)
        %mul3A_861 = arith.constant 8 : i32
        %mul3A_862 = arith.muli %sub3A_837, %mul3A_861 : i32
        %add3A_863 = arith.addi %mul3A_4, %mul3A_862 : i32
        %add3A_864 = arith.constant 1 : i32
        %add3A_865 = arith.addi %add3A_863, %add3A_864 : i32
        %dma_wait3A_866 = arith.constant 200 : i32
        %dma_wait3A_867 = arith.constant 0 : i32
        %dma_wait3A_868 = tpu.memref_slice %arg6[%rem3A_617, %dma_wait3A_866, %dma_wait3A_867] : memref<2x1600x32xf32, #tpu.memory_space<vmem>> -> memref<1x200x32xf32, #tpu.memory_space<vmem>>
        %dma_wait3A_869 = tpu.memref_squeeze %dma_wait3A_868 : memref<1x200x32xf32, #tpu.memory_space<vmem>> -> memref<200x32xf32, #tpu.memory_space<vmem>>
        %dma_wait3A_870 = arith.constant 0 : i32
        %dma_wait3A_871 = arith.constant 0 : i32
        %dma_wait3A_872 = tpu.memref_slice %arg4[%add3A_865, %dma_wait3A_870, %dma_wait3A_871] : memref<4096x200x32xf32, #tpu.memory_space<hbm>> -> memref<1x200x32xf32, #tpu.memory_space<hbm>>
        %dma_wait3A_873 = tpu.memref_squeeze %dma_wait3A_872 : memref<1x200x32xf32, #tpu.memory_space<hbm>> -> memref<200x32xf32, #tpu.memory_space<hbm>>
        %dma_wait3A_874 = tpu.memref_slice %arg8[%rem3A_617] : memref<2x!tpu.dma_semaphore, #tpu.memory_space<semaphore_mem>> -> memref<1x!tpu.dma_semaphore, #tpu.memory_space<semaphore_mem>>
        %dma_wait3A_875 = tpu.memref_squeeze %dma_wait3A_874 : memref<1x!tpu.dma_semaphore, #tpu.memory_space<semaphore_mem>> -> memref<!tpu.dma_semaphore, #tpu.memory_space<semaphore_mem>>
        %dma_wait3A_876 = arith.constant 0 : i32
        %dma_wait3A_877 = arith.constant 0 : i32
        %dma_wait3A_878 = tpu.memref_slice %arg4[%add3A_865, %dma_wait3A_876, %dma_wait3A_877] : memref<4096x200x32xf32, #tpu.memory_space<hbm>> -> memref<1x200x32xf32, #tpu.memory_space<hbm>>
        %dma_wait3A_879 = tpu.memref_squeeze %dma_wait3A_878 : memref<1x200x32xf32, #tpu.memory_space<hbm>> -> memref<200x32xf32, #tpu.memory_space<hbm>>
        %dma_wait3A_880 = arith.constant 200 : i32
        %dma_wait3A_881 = arith.constant 0 : i32
        %dma_wait3A_882 = tpu.memref_slice %arg6[%rem3A_617, %dma_wait3A_880, %dma_wait3A_881] : memref<2x1600x32xf32, #tpu.memory_space<vmem>> -> memref<1x200x32xf32, #tpu.memory_space<vmem>>
        %dma_wait3A_883 = tpu.memref_squeeze %dma_wait3A_882 : memref<1x200x32xf32, #tpu.memory_space<vmem>> -> memref<200x32xf32, #tpu.memory_space<vmem>>
        tpu.wait_dma2 semaphore(%dma_wait3A_875 : memref<!tpu.dma_semaphore, #tpu.memory_space<semaphore_mem>>) src(%dma_wait3A_883 : memref<200x32xf32, #tpu.memory_space<vmem>>) dst(%dma_wait3A_879 : memref<200x32xf32, #tpu.memory_space<hbm>>)
        %mul3A_884 = arith.constant 8 : i32
        %mul3A_885 = arith.muli %sub3A_837, %mul3A_884 : i32
        %add3A_886 = arith.addi %mul3A_4, %mul3A_885 : i32
        %add3A_887 = arith.constant 2 : i32
        %add3A_888 = arith.addi %add3A_886, %add3A_887 : i32
        %dma_wait3A_889 = arith.constant 400 : i32
        %dma_wait3A_890 = arith.constant 0 : i32
        %dma_wait3A_891 = tpu.memref_slice %arg6[%rem3A_617, %dma_wait3A_889, %dma_wait3A_890] : memref<2x1600x32xf32, #tpu.memory_space<vmem>> -> memref<1x200x32xf32, #tpu.memory_space<vmem>>
        %dma_wait3A_892 = tpu.memref_squeeze %dma_wait3A_891 : memref<1x200x32xf32, #tpu.memory_space<vmem>> -> memref<200x32xf32, #tpu.memory_space<vmem>>
        %dma_wait3A_893 = arith.constant 0 : i32
        %dma_wait3A_894 = arith.constant 0 : i32
        %dma_wait3A_895 = tpu.memref_slice %arg4[%add3A_888, %dma_wait3A_893, %dma_wait3A_894] : memref<4096x200x32xf32, #tpu.memory_space<hbm>> -> memref<1x200x32xf32, #tpu.memory_space<hbm>>
        %dma_wait3A_896 = tpu.memref_squeeze %dma_wait3A_895 : memref<1x200x32xf32, #tpu.memory_space<hbm>> -> memref<200x32xf32, #tpu.memory_space<hbm>>
        %dma_wait3A_897 = tpu.memref_slice %arg8[%rem3A_617] : memref<2x!tpu.dma_semaphore, #tpu.memory_space<semaphore_mem>> -> memref<1x!tpu.dma_semaphore, #tpu.memory_space<semaphore_mem>>
        %dma_wait3A_898 = tpu.memref_squeeze %dma_wait3A_897 : memref<1x!tpu.dma_semaphore, #tpu.memory_space<semaphore_mem>> -> memref<!tpu.dma_semaphore, #tpu.memory_space<semaphore_mem>>
        %dma_wait3A_899 = arith.constant 0 : i32
        %dma_wait3A_900 = arith.constant 0 : i32
        %dma_wait3A_901 = tpu.memref_slice %arg4[%add3A_888, %dma_wait3A_899, %dma_wait3A_900] : memref<4096x200x32xf32, #tpu.memory_space<hbm>> -> memref<1x200x32xf32, #tpu.memory_space<hbm>>
        %dma_wait3A_902 = tpu.memref_squeeze %dma_wait3A_901 : memref<1x200x32xf32, #tpu.memory_space<hbm>> -> memref<200x32xf32, #tpu.memory_space<hbm>>
        %dma_wait3A_903 = arith.constant 400 : i32
        %dma_wait3A_904 = arith.constant 0 : i32
        %dma_wait3A_905 = tpu.memref_slice %arg6[%rem3A_617, %dma_wait3A_903, %dma_wait3A_904] : memref<2x1600x32xf32, #tpu.memory_space<vmem>> -> memref<1x200x32xf32, #tpu.memory_space<vmem>>
        %dma_wait3A_906 = tpu.memref_squeeze %dma_wait3A_905 : memref<1x200x32xf32, #tpu.memory_space<vmem>> -> memref<200x32xf32, #tpu.memory_space<vmem>>
        tpu.wait_dma2 semaphore(%dma_wait3A_898 : memref<!tpu.dma_semaphore, #tpu.memory_space<semaphore_mem>>) src(%dma_wait3A_906 : memref<200x32xf32, #tpu.memory_space<vmem>>) dst(%dma_wait3A_902 : memref<200x32xf32, #tpu.memory_space<hbm>>)
        %mul3A_907 = arith.constant 8 : i32
        %mul3A_908 = arith.muli %sub3A_837, %mul3A_907 : i32
        %add3A_909 = arith.addi %mul3A_4, %mul3A_908 : i32
        %add3A_910 = arith.constant 3 : i32
        %add3A_911 = arith.addi %add3A_909, %add3A_910 : i32
        %dma_wait3A_912 = arith.constant 600 : i32
        %dma_wait3A_913 = arith.constant 0 : i32
        %dma_wait3A_914 = tpu.memref_slice %arg6[%rem3A_617, %dma_wait3A_912, %dma_wait3A_913] : memref<2x1600x32xf32, #tpu.memory_space<vmem>> -> memref<1x200x32xf32, #tpu.memory_space<vmem>>
        %dma_wait3A_915 = tpu.memref_squeeze %dma_wait3A_914 : memref<1x200x32xf32, #tpu.memory_space<vmem>> -> memref<200x32xf32, #tpu.memory_space<vmem>>
        %dma_wait3A_916 = arith.constant 0 : i32
        %dma_wait3A_917 = arith.constant 0 : i32
        %dma_wait3A_918 = tpu.memref_slice %arg4[%add3A_911, %dma_wait3A_916, %dma_wait3A_917] : memref<4096x200x32xf32, #tpu.memory_space<hbm>> -> memref<1x200x32xf32, #tpu.memory_space<hbm>>
        %dma_wait3A_919 = tpu.memref_squeeze %dma_wait3A_918 : memref<1x200x32xf32, #tpu.memory_space<hbm>> -> memref<200x32xf32, #tpu.memory_space<hbm>>
        %dma_wait3A_920 = tpu.memref_slice %arg8[%rem3A_617] : memref<2x!tpu.dma_semaphore, #tpu.memory_space<semaphore_mem>> -> memref<1x!tpu.dma_semaphore, #tpu.memory_space<semaphore_mem>>
        %dma_wait3A_921 = tpu.memref_squeeze %dma_wait3A_920 : memref<1x!tpu.dma_semaphore, #tpu.memory_space<semaphore_mem>> -> memref<!tpu.dma_semaphore, #tpu.memory_space<semaphore_mem>>
        %dma_wait3A_922 = arith.constant 0 : i32
        %dma_wait3A_923 = arith.constant 0 : i32
        %dma_wait3A_924 = tpu.memref_slice %arg4[%add3A_911, %dma_wait3A_922, %dma_wait3A_923] : memref<4096x200x32xf32, #tpu.memory_space<hbm>> -> memref<1x200x32xf32, #tpu.memory_space<hbm>>
        %dma_wait3A_925 = tpu.memref_squeeze %dma_wait3A_924 : memref<1x200x32xf32, #tpu.memory_space<hbm>> -> memref<200x32xf32, #tpu.memory_space<hbm>>
        %dma_wait3A_926 = arith.constant 600 : i32
        %dma_wait3A_927 = arith.constant 0 : i32
        %dma_wait3A_928 = tpu.memref_slice %arg6[%rem3A_617, %dma_wait3A_926, %dma_wait3A_927] : memref<2x1600x32xf32, #tpu.memory_space<vmem>> -> memref<1x200x32xf32, #tpu.memory_space<vmem>>
        %dma_wait3A_929 = tpu.memref_squeeze %dma_wait3A_928 : memref<1x200x32xf32, #tpu.memory_space<vmem>> -> memref<200x32xf32, #tpu.memory_space<vmem>>
        tpu.wait_dma2 semaphore(%dma_wait3A_921 : memref<!tpu.dma_semaphore, #tpu.memory_space<semaphore_mem>>) src(%dma_wait3A_929 : memref<200x32xf32, #tpu.memory_space<vmem>>) dst(%dma_wait3A_925 : memref<200x32xf32, #tpu.memory_space<hbm>>)
        %mul3A_930 = arith.constant 8 : i32
        %mul3A_931 = arith.muli %sub3A_837, %mul3A_930 : i32
        %add3A_932 = arith.addi %mul3A_4, %mul3A_931 : i32
        %add3A_933 = arith.constant 4 : i32
        %add3A_934 = arith.addi %add3A_932, %add3A_933 : i32
        %dma_wait3A_935 = arith.constant 800 : i32
        %dma_wait3A_936 = arith.constant 0 : i32
        %dma_wait3A_937 = tpu.memref_slice %arg6[%rem3A_617, %dma_wait3A_935, %dma_wait3A_936] : memref<2x1600x32xf32, #tpu.memory_space<vmem>> -> memref<1x200x32xf32, #tpu.memory_space<vmem>>
        %dma_wait3A_938 = tpu.memref_squeeze %dma_wait3A_937 : memref<1x200x32xf32, #tpu.memory_space<vmem>> -> memref<200x32xf32, #tpu.memory_space<vmem>>
        %dma_wait3A_939 = arith.constant 0 : i32
        %dma_wait3A_940 = arith.constant 0 : i32
        %dma_wait3A_941 = tpu.memref_slice %arg4[%add3A_934, %dma_wait3A_939, %dma_wait3A_940] : memref<4096x200x32xf32, #tpu.memory_space<hbm>> -> memref<1x200x32xf32, #tpu.memory_space<hbm>>
        %dma_wait3A_942 = tpu.memref_squeeze %dma_wait3A_941 : memref<1x200x32xf32, #tpu.memory_space<hbm>> -> memref<200x32xf32, #tpu.memory_space<hbm>>
        %dma_wait3A_943 = tpu.memref_slice %arg8[%rem3A_617] : memref<2x!tpu.dma_semaphore, #tpu.memory_space<semaphore_mem>> -> memref<1x!tpu.dma_semaphore, #tpu.memory_space<semaphore_mem>>
        %dma_wait3A_944 = tpu.memref_squeeze %dma_wait3A_943 : memref<1x!tpu.dma_semaphore, #tpu.memory_space<semaphore_mem>> -> memref<!tpu.dma_semaphore, #tpu.memory_space<semaphore_mem>>
        %dma_wait3A_945 = arith.constant 0 : i32
        %dma_wait3A_946 = arith.constant 0 : i32
        %dma_wait3A_947 = tpu.memref_slice %arg4[%add3A_934, %dma_wait3A_945, %dma_wait3A_946] : memref<4096x200x32xf32, #tpu.memory_space<hbm>> -> memref<1x200x32xf32, #tpu.memory_space<hbm>>
        %dma_wait3A_948 = tpu.memref_squeeze %dma_wait3A_947 : memref<1x200x32xf32, #tpu.memory_space<hbm>> -> memref<200x32xf32, #tpu.memory_space<hbm>>
        %dma_wait3A_949 = arith.constant 800 : i32
        %dma_wait3A_950 = arith.constant 0 : i32
        %dma_wait3A_951 = tpu.memref_slice %arg6[%rem3A_617, %dma_wait3A_949, %dma_wait3A_950] : memref<2x1600x32xf32, #tpu.memory_space<vmem>> -> memref<1x200x32xf32, #tpu.memory_space<vmem>>
        %dma_wait3A_952 = tpu.memref_squeeze %dma_wait3A_951 : memref<1x200x32xf32, #tpu.memory_space<vmem>> -> memref<200x32xf32, #tpu.memory_space<vmem>>
        tpu.wait_dma2 semaphore(%dma_wait3A_944 : memref<!tpu.dma_semaphore, #tpu.memory_space<semaphore_mem>>) src(%dma_wait3A_952 : memref<200x32xf32, #tpu.memory_space<vmem>>) dst(%dma_wait3A_948 : memref<200x32xf32, #tpu.memory_space<hbm>>)
        %mul3A_953 = arith.constant 8 : i32
        %mul3A_954 = arith.muli %sub3A_837, %mul3A_953 : i32
        %add3A_955 = arith.addi %mul3A_4, %mul3A_954 : i32
        %add3A_956 = arith.constant 5 : i32
        %add3A_957 = arith.addi %add3A_955, %add3A_956 : i32
        %dma_wait3A_958 = arith.constant 1000 : i32
        %dma_wait3A_959 = arith.constant 0 : i32
        %dma_wait3A_960 = tpu.memref_slice %arg6[%rem3A_617, %dma_wait3A_958, %dma_wait3A_959] : memref<2x1600x32xf32, #tpu.memory_space<vmem>> -> memref<1x200x32xf32, #tpu.memory_space<vmem>>
        %dma_wait3A_961 = tpu.memref_squeeze %dma_wait3A_960 : memref<1x200x32xf32, #tpu.memory_space<vmem>> -> memref<200x32xf32, #tpu.memory_space<vmem>>
        %dma_wait3A_962 = arith.constant 0 : i32
        %dma_wait3A_963 = arith.constant 0 : i32
        %dma_wait3A_964 = tpu.memref_slice %arg4[%add3A_957, %dma_wait3A_962, %dma_wait3A_963] : memref<4096x200x32xf32, #tpu.memory_space<hbm>> -> memref<1x200x32xf32, #tpu.memory_space<hbm>>
        %dma_wait3A_965 = tpu.memref_squeeze %dma_wait3A_964 : memref<1x200x32xf32, #tpu.memory_space<hbm>> -> memref<200x32xf32, #tpu.memory_space<hbm>>
        %dma_wait3A_966 = tpu.memref_slice %arg8[%rem3A_617] : memref<2x!tpu.dma_semaphore, #tpu.memory_space<semaphore_mem>> -> memref<1x!tpu.dma_semaphore, #tpu.memory_space<semaphore_mem>>
        %dma_wait3A_967 = tpu.memref_squeeze %dma_wait3A_966 : memref<1x!tpu.dma_semaphore, #tpu.memory_space<semaphore_mem>> -> memref<!tpu.dma_semaphore, #tpu.memory_space<semaphore_mem>>
        %dma_wait3A_968 = arith.constant 0 : i32
        %dma_wait3A_969 = arith.constant 0 : i32
        %dma_wait3A_970 = tpu.memref_slice %arg4[%add3A_957, %dma_wait3A_968, %dma_wait3A_969] : memref<4096x200x32xf32, #tpu.memory_space<hbm>> -> memref<1x200x32xf32, #tpu.memory_space<hbm>>
        %dma_wait3A_971 = tpu.memref_squeeze %dma_wait3A_970 : memref<1x200x32xf32, #tpu.memory_space<hbm>> -> memref<200x32xf32, #tpu.memory_space<hbm>>
        %dma_wait3A_972 = arith.constant 1000 : i32
        %dma_wait3A_973 = arith.constant 0 : i32
        %dma_wait3A_974 = tpu.memref_slice %arg6[%rem3A_617, %dma_wait3A_972, %dma_wait3A_973] : memref<2x1600x32xf32, #tpu.memory_space<vmem>> -> memref<1x200x32xf32, #tpu.memory_space<vmem>>
        %dma_wait3A_975 = tpu.memref_squeeze %dma_wait3A_974 : memref<1x200x32xf32, #tpu.memory_space<vmem>> -> memref<200x32xf32, #tpu.memory_space<vmem>>
        tpu.wait_dma2 semaphore(%dma_wait3A_967 : memref<!tpu.dma_semaphore, #tpu.memory_space<semaphore_mem>>) src(%dma_wait3A_975 : memref<200x32xf32, #tpu.memory_space<vmem>>) dst(%dma_wait3A_971 : memref<200x32xf32, #tpu.memory_space<hbm>>)
        %mul3A_976 = arith.constant 8 : i32
        %mul3A_977 = arith.muli %sub3A_837, %mul3A_976 : i32
        %add3A_978 = arith.addi %mul3A_4, %mul3A_977 : i32
        %add3A_979 = arith.constant 6 : i32
        %add3A_980 = arith.addi %add3A_978, %add3A_979 : i32
        %dma_wait3A_981 = arith.constant 1200 : i32
        %dma_wait3A_982 = arith.constant 0 : i32
        %dma_wait3A_983 = tpu.memref_slice %arg6[%rem3A_617, %dma_wait3A_981, %dma_wait3A_982] : memref<2x1600x32xf32, #tpu.memory_space<vmem>> -> memref<1x200x32xf32, #tpu.memory_space<vmem>>
        %dma_wait3A_984 = tpu.memref_squeeze %dma_wait3A_983 : memref<1x200x32xf32, #tpu.memory_space<vmem>> -> memref<200x32xf32, #tpu.memory_space<vmem>>
        %dma_wait3A_985 = arith.constant 0 : i32
        %dma_wait3A_986 = arith.constant 0 : i32
        %dma_wait3A_987 = tpu.memref_slice %arg4[%add3A_980, %dma_wait3A_985, %dma_wait3A_986] : memref<4096x200x32xf32, #tpu.memory_space<hbm>> -> memref<1x200x32xf32, #tpu.memory_space<hbm>>
        %dma_wait3A_988 = tpu.memref_squeeze %dma_wait3A_987 : memref<1x200x32xf32, #tpu.memory_space<hbm>> -> memref<200x32xf32, #tpu.memory_space<hbm>>
        %dma_wait3A_989 = tpu.memref_slice %arg8[%rem3A_617] : memref<2x!tpu.dma_semaphore, #tpu.memory_space<semaphore_mem>> -> memref<1x!tpu.dma_semaphore, #tpu.memory_space<semaphore_mem>>
        %dma_wait3A_990 = tpu.memref_squeeze %dma_wait3A_989 : memref<1x!tpu.dma_semaphore, #tpu.memory_space<semaphore_mem>> -> memref<!tpu.dma_semaphore, #tpu.memory_space<semaphore_mem>>
        %dma_wait3A_991 = arith.constant 0 : i32
        %dma_wait3A_992 = arith.constant 0 : i32
        %dma_wait3A_993 = tpu.memref_slice %arg4[%add3A_980, %dma_wait3A_991, %dma_wait3A_992] : memref<4096x200x32xf32, #tpu.memory_space<hbm>> -> memref<1x200x32xf32, #tpu.memory_space<hbm>>
        %dma_wait3A_994 = tpu.memref_squeeze %dma_wait3A_993 : memref<1x200x32xf32, #tpu.memory_space<hbm>> -> memref<200x32xf32, #tpu.memory_space<hbm>>
        %dma_wait3A_995 = arith.constant 1200 : i32
        %dma_wait3A_996 = arith.constant 0 : i32
        %dma_wait3A_997 = tpu.memref_slice %arg6[%rem3A_617, %dma_wait3A_995, %dma_wait3A_996] : memref<2x1600x32xf32, #tpu.memory_space<vmem>> -> memref<1x200x32xf32, #tpu.memory_space<vmem>>
        %dma_wait3A_998 = tpu.memref_squeeze %dma_wait3A_997 : memref<1x200x32xf32, #tpu.memory_space<vmem>> -> memref<200x32xf32, #tpu.memory_space<vmem>>
        tpu.wait_dma2 semaphore(%dma_wait3A_990 : memref<!tpu.dma_semaphore, #tpu.memory_space<semaphore_mem>>) src(%dma_wait3A_998 : memref<200x32xf32, #tpu.memory_space<vmem>>) dst(%dma_wait3A_994 : memref<200x32xf32, #tpu.memory_space<hbm>>)
        %mul3A_999 = arith.constant 8 : i32
        %mul3A_1000 = arith.muli %sub3A_837, %mul3A_999 : i32
        %add3A_1001 = arith.addi %mul3A_4, %mul3A_1000 : i32
        %add3A_1002 = arith.constant 7 : i32
        %add3A_1003 = arith.addi %add3A_1001, %add3A_1002 : i32
        %dma_wait3A_1004 = arith.constant 1400 : i32
        %dma_wait3A_1005 = arith.constant 0 : i32
        %dma_wait3A_1006 = tpu.memref_slice %arg6[%rem3A_617, %dma_wait3A_1004, %dma_wait3A_1005] : memref<2x1600x32xf32, #tpu.memory_space<vmem>> -> memref<1x200x32xf32, #tpu.memory_space<vmem>>
        %dma_wait3A_1007 = tpu.memref_squeeze %dma_wait3A_1006 : memref<1x200x32xf32, #tpu.memory_space<vmem>> -> memref<200x32xf32, #tpu.memory_space<vmem>>
        %dma_wait3A_1008 = arith.constant 0 : i32
        %dma_wait3A_1009 = arith.constant 0 : i32
        %dma_wait3A_1010 = tpu.memref_slice %arg4[%add3A_1003, %dma_wait3A_1008, %dma_wait3A_1009] : memref<4096x200x32xf32, #tpu.memory_space<hbm>> -> memref<1x200x32xf32, #tpu.memory_space<hbm>>
        %dma_wait3A_1011 = tpu.memref_squeeze %dma_wait3A_1010 : memref<1x200x32xf32, #tpu.memory_space<hbm>> -> memref<200x32xf32, #tpu.memory_space<hbm>>
        %dma_wait3A_1012 = tpu.memref_slice %arg8[%rem3A_617] : memref<2x!tpu.dma_semaphore, #tpu.memory_space<semaphore_mem>> -> memref<1x!tpu.dma_semaphore, #tpu.memory_space<semaphore_mem>>
        %dma_wait3A_1013 = tpu.memref_squeeze %dma_wait3A_1012 : memref<1x!tpu.dma_semaphore, #tpu.memory_space<semaphore_mem>> -> memref<!tpu.dma_semaphore, #tpu.memory_space<semaphore_mem>>
        %dma_wait3A_1014 = arith.constant 0 : i32
        %dma_wait3A_1015 = arith.constant 0 : i32
        %dma_wait3A_1016 = tpu.memref_slice %arg4[%add3A_1003, %dma_wait3A_1014, %dma_wait3A_1015] : memref<4096x200x32xf32, #tpu.memory_space<hbm>> -> memref<1x200x32xf32, #tpu.memory_space<hbm>>
        %dma_wait3A_1017 = tpu.memref_squeeze %dma_wait3A_1016 : memref<1x200x32xf32, #tpu.memory_space<hbm>> -> memref<200x32xf32, #tpu.memory_space<hbm>>
        %dma_wait3A_1018 = arith.constant 1400 : i32
        %dma_wait3A_1019 = arith.constant 0 : i32
        %dma_wait3A_1020 = tpu.memref_slice %arg6[%rem3A_617, %dma_wait3A_1018, %dma_wait3A_1019] : memref<2x1600x32xf32, #tpu.memory_space<vmem>> -> memref<1x200x32xf32, #tpu.memory_space<vmem>>
        %dma_wait3A_1021 = tpu.memref_squeeze %dma_wait3A_1020 : memref<1x200x32xf32, #tpu.memory_space<vmem>> -> memref<200x32xf32, #tpu.memory_space<vmem>>
        tpu.wait_dma2 semaphore(%dma_wait3A_1013 : memref<!tpu.dma_semaphore, #tpu.memory_space<semaphore_mem>>) src(%dma_wait3A_1021 : memref<200x32xf32, #tpu.memory_space<vmem>>) dst(%dma_wait3A_1017 : memref<200x32xf32, #tpu.memory_space<hbm>>)
      } else {
      }
      %mul3A_623 = arith.constant 1600 : i32
      %mul3A_624 = arith.muli %scan3A_616, %mul3A_623 : i32
      %add3A_625 = arith.addi %mul3A_2, %mul3A_624 : i32
      "tpu.region"() ({
        %run_scoped3A_836 = tpu.sem_alloc : memref<!tpu.dma_semaphore, #tpu.memory_space<semaphore_mem>>
        %dma_start3A_837 = arith.constant 0 : i32
        %dma_start3A_838 = tpu.memref_slice %arg5[%rem3A_617, %dma_start3A_837] : memref<2x1600xi32, #tpu.memory_space<vmem>> -> memref<1x1600xi32, #tpu.memory_space<vmem>>
        %dma_start3A_839 = tpu.memref_squeeze %dma_start3A_838 : memref<1x1600xi32, #tpu.memory_space<vmem>> -> memref<1600xi32, #tpu.memory_space<vmem>>
        %dma_start3A_840 = tpu.memref_slice %arg3[%add3A_625] : memref<819200xi32, #tpu.memory_space<hbm>> -> memref<1600xi32, #tpu.memory_space<hbm>>
        %dma_start3A_841 = arith.constant 0 : i32
        %dma_start3A_842 = tpu.memref_slice %arg5[%rem3A_617, %dma_start3A_841] : memref<2x1600xi32, #tpu.memory_space<vmem>> -> memref<1x1600xi32, #tpu.memory_space<vmem>>
        %dma_start3A_843 = tpu.memref_squeeze %dma_start3A_842 : memref<1x1600xi32, #tpu.memory_space<vmem>> -> memref<1600xi32, #tpu.memory_space<vmem>>
        %dma_start3A_844 = tpu.memref_slice %arg3[%add3A_625] : memref<819200xi32, #tpu.memory_space<hbm>> -> memref<1600xi32, #tpu.memory_space<hbm>>
        tpu.enqueue_dma source(%dma_start3A_844 : memref<1600xi32, #tpu.memory_space<hbm>>) target(%dma_start3A_843 : memref<1600xi32, #tpu.memory_space<vmem>>) target_semaphore(%run_scoped3A_836 : memref<!tpu.dma_semaphore, #tpu.memory_space<semaphore_mem>>)
        %dma_wait3A_845 = arith.constant 0 : i32
        %dma_wait3A_846 = tpu.memref_slice %arg5[%rem3A_617, %dma_wait3A_845] : memref<2x1600xi32, #tpu.memory_space<vmem>> -> memref<1x1600xi32, #tpu.memory_space<vmem>>
        %dma_wait3A_847 = tpu.memref_squeeze %dma_wait3A_846 : memref<1x1600xi32, #tpu.memory_space<vmem>> -> memref<1600xi32, #tpu.memory_space<vmem>>
        %dma_wait3A_848 = tpu.memref_slice %arg3[%add3A_625] : memref<819200xi32, #tpu.memory_space<hbm>> -> memref<1600xi32, #tpu.memory_space<hbm>>
        %dma_wait3A_849 = arith.constant 0 : i32
        %dma_wait3A_850 = tpu.memref_slice %arg5[%rem3A_617, %dma_wait3A_849] : memref<2x1600xi32, #tpu.memory_space<vmem>> -> memref<1x1600xi32, #tpu.memory_space<vmem>>
        %dma_wait3A_851 = tpu.memref_squeeze %dma_wait3A_850 : memref<1x1600xi32, #tpu.memory_space<vmem>> -> memref<1600xi32, #tpu.memory_space<vmem>>
        %dma_wait3A_852 = tpu.memref_slice %arg3[%add3A_625] : memref<819200xi32, #tpu.memory_space<hbm>> -> memref<1600xi32, #tpu.memory_space<hbm>>
        tpu.wait_dma2 semaphore(%run_scoped3A_836 : memref<!tpu.dma_semaphore, #tpu.memory_space<semaphore_mem>>) src(%dma_wait3A_852 : memref<1600xi32, #tpu.memory_space<hbm>>) dst(%dma_wait3A_851 : memref<1600xi32, #tpu.memory_space<vmem>>)
        tpu.yield
      }) : () -> ()
      %dma_start3A_626 = arith.constant 0 : i32
      %dma_start3A_627 = arith.constant 0 : i32
      %dma_start3A_628 = tpu.memref_slice %arg6[%rem3A_617, %dma_start3A_626, %dma_start3A_627] : memref<2x1600x32xf32, #tpu.memory_space<vmem>> -> memref<1x1600x32xf32, #tpu.memory_space<vmem>>
      %dma_start3A_629 = tpu.memref_squeeze %dma_start3A_628 : memref<1x1600x32xf32, #tpu.memory_space<vmem>> -> memref<1600x32xf32, #tpu.memory_space<vmem>>
      %dma_start3A_630 = arith.constant 0 : i32
      %dma_start3A_631 = tpu.memref_slice %arg5[%rem3A_617, %dma_start3A_630] : memref<2x1600xi32, #tpu.memory_space<vmem>> -> memref<1x1600xi32, #tpu.memory_space<vmem>>
      %dma_start3A_632 = tpu.memref_squeeze %dma_start3A_631 : memref<1x1600xi32, #tpu.memory_space<vmem>> -> memref<1600xi32, #tpu.memory_space<vmem>>
      %dma_start3A_633 = arith.constant 0 : i32
      %dma_start3A_634 = arith.constant 0 : i32
      %dma_start3A_635 = tpu.memref_slice %arg2[%dma_start3A_633, %dma_start3A_634] : memref<1015808x32xf32, #tpu.memory_space<hbm>> -> memref<1015808x32xf32, #tpu.memory_space<hbm>>
      %dma_start3A_636 = tpu.memref_slice %arg7[%rem3A_617] : memref<2x!tpu.dma_semaphore, #tpu.memory_space<semaphore_mem>> -> memref<1x!tpu.dma_semaphore, #tpu.memory_space<semaphore_mem>>
      %dma_start3A_637 = tpu.memref_squeeze %dma_start3A_636 : memref<1x!tpu.dma_semaphore, #tpu.memory_space<semaphore_mem>> -> memref<!tpu.dma_semaphore, #tpu.memory_space<semaphore_mem>>
      tpu.enqueue_indirect_dma source(%dma_start3A_635 : memref<1015808x32xf32, #tpu.memory_space<hbm>>) target(%dma_start3A_629 : memref<1600x32xf32, #tpu.memory_space<vmem>>) offsets(%dma_start3A_632 : memref<1600xi32, #tpu.memory_space<vmem>>) semaphore(%dma_start3A_637 : memref<!tpu.dma_semaphore, #tpu.memory_space<semaphore_mem>>)
      %dma_wait3A_638 = arith.constant 0 : i32
      %dma_wait3A_639 = arith.constant 0 : i32
      %dma_wait3A_640 = tpu.memref_slice %arg6[%rem3A_620, %dma_wait3A_638, %dma_wait3A_639] : memref<2x1600x32xf32, #tpu.memory_space<vmem>> -> memref<1x1600x32xf32, #tpu.memory_space<vmem>>
      %dma_wait3A_641 = tpu.memref_squeeze %dma_wait3A_640 : memref<1x1600x32xf32, #tpu.memory_space<vmem>> -> memref<1600x32xf32, #tpu.memory_space<vmem>>
      %dma_wait3A_642 = arith.constant 0 : i32
      %dma_wait3A_643 = tpu.memref_slice %arg5[%rem3A_620, %dma_wait3A_642] : memref<2x1600xi32, #tpu.memory_space<vmem>> -> memref<1x1600xi32, #tpu.memory_space<vmem>>
      %dma_wait3A_644 = tpu.memref_squeeze %dma_wait3A_643 : memref<1x1600xi32, #tpu.memory_space<vmem>> -> memref<1600xi32, #tpu.memory_space<vmem>>
      %dma_wait3A_645 = arith.constant 0 : i32
      %dma_wait3A_646 = arith.constant 0 : i32
      %dma_wait3A_647 = tpu.memref_slice %arg2[%dma_wait3A_645, %dma_wait3A_646] : memref<1015808x32xf32, #tpu.memory_space<hbm>> -> memref<1015808x32xf32, #tpu.memory_space<hbm>>
      %dma_wait3A_648 = tpu.memref_slice %arg7[%rem3A_620] : memref<2x!tpu.dma_semaphore, #tpu.memory_space<semaphore_mem>> -> memref<1x!tpu.dma_semaphore, #tpu.memory_space<semaphore_mem>>
      %dma_wait3A_649 = tpu.memref_squeeze %dma_wait3A_648 : memref<1x!tpu.dma_semaphore, #tpu.memory_space<semaphore_mem>> -> memref<!tpu.dma_semaphore, #tpu.memory_space<semaphore_mem>>
      tpu.wait_indirect_dma semaphore(%dma_wait3A_649 : memref<!tpu.dma_semaphore, #tpu.memory_space<semaphore_mem>>) src(%dma_wait3A_647 : memref<1015808x32xf32, #tpu.memory_space<hbm>>) dst(%dma_wait3A_641 : memref<1600x32xf32, #tpu.memory_space<vmem>>)
      %sub3A_650 = arith.constant 1 : i32
      %sub3A_651 = arith.subi %scan3A_616, %sub3A_650 : i32
      %mul3A_652 = arith.constant 8 : i32
      %mul3A_653 = arith.muli %sub3A_651, %mul3A_652 : i32
      %add3A_654 = arith.addi %mul3A_4, %mul3A_653 : i32
      %add3A_655 = arith.constant 0 : i32
      %add3A_656 = arith.addi %add3A_654, %add3A_655 : i32
      %dma_start3A_657 = arith.constant 0 : i32
      %dma_start3A_658 = arith.constant 0 : i32
      %dma_start3A_659 = tpu.memref_slice %arg6[%rem3A_620, %dma_start3A_657, %dma_start3A_658] : memref<2x1600x32xf32, #tpu.memory_space<vmem>> -> memref<1x200x32xf32, #tpu.memory_space<vmem>>
      %dma_start3A_660 = tpu.memref_squeeze %dma_start3A_659 : memref<1x200x32xf32, #tpu.memory_space<vmem>> -> memref<200x32xf32, #tpu.memory_space<vmem>>
      %dma_start3A_661 = arith.constant 0 : i32
      %dma_start3A_662 = arith.constant 0 : i32
      %dma_start3A_663 = tpu.memref_slice %arg4[%add3A_656, %dma_start3A_661, %dma_start3A_662] : memref<4096x200x32xf32, #tpu.memory_space<hbm>> -> memref<1x200x32xf32, #tpu.memory_space<hbm>>
      %dma_start3A_664 = tpu.memref_squeeze %dma_start3A_663 : memref<1x200x32xf32, #tpu.memory_space<hbm>> -> memref<200x32xf32, #tpu.memory_space<hbm>>
      %dma_start3A_665 = tpu.memref_slice %arg8[%rem3A_620] : memref<2x!tpu.dma_semaphore, #tpu.memory_space<semaphore_mem>> -> memref<1x!tpu.dma_semaphore, #tpu.memory_space<semaphore_mem>>
      %dma_start3A_666 = tpu.memref_squeeze %dma_start3A_665 : memref<1x!tpu.dma_semaphore, #tpu.memory_space<semaphore_mem>> -> memref<!tpu.dma_semaphore, #tpu.memory_space<semaphore_mem>>
      %dma_start3A_667 = arith.constant 0 : i32
      %dma_start3A_668 = arith.constant 0 : i32
      %dma_start3A_669 = tpu.memref_slice %arg4[%add3A_656, %dma_start3A_667, %dma_start3A_668] : memref<4096x200x32xf32, #tpu.memory_space<hbm>> -> memref<1x200x32xf32, #tpu.memory_space<hbm>>
      %dma_start3A_670 = tpu.memref_squeeze %dma_start3A_669 : memref<1x200x32xf32, #tpu.memory_space<hbm>> -> memref<200x32xf32, #tpu.memory_space<hbm>>
      %dma_start3A_671 = arith.constant 0 : i32
      %dma_start3A_672 = arith.constant 0 : i32
      %dma_start3A_673 = tpu.memref_slice %arg6[%rem3A_620, %dma_start3A_671, %dma_start3A_672] : memref<2x1600x32xf32, #tpu.memory_space<vmem>> -> memref<1x200x32xf32, #tpu.memory_space<vmem>>
      %dma_start3A_674 = tpu.memref_squeeze %dma_start3A_673 : memref<1x200x32xf32, #tpu.memory_space<vmem>> -> memref<200x32xf32, #tpu.memory_space<vmem>>
      tpu.enqueue_dma source(%dma_start3A_674 : memref<200x32xf32, #tpu.memory_space<vmem>>) target(%dma_start3A_670 : memref<200x32xf32, #tpu.memory_space<hbm>>) target_semaphore(%dma_start3A_666 : memref<!tpu.dma_semaphore, #tpu.memory_space<semaphore_mem>>)
      %mul3A_675 = arith.constant 8 : i32
      %mul3A_676 = arith.muli %sub3A_651, %mul3A_675 : i32
      %add3A_677 = arith.addi %mul3A_4, %mul3A_676 : i32
      %add3A_678 = arith.constant 1 : i32
      %add3A_679 = arith.addi %add3A_677, %add3A_678 : i32
      %dma_start3A_680 = arith.constant 200 : i32
      %dma_start3A_681 = arith.constant 0 : i32
      %dma_start3A_682 = tpu.memref_slice %arg6[%rem3A_620, %dma_start3A_680, %dma_start3A_681] : memref<2x1600x32xf32, #tpu.memory_space<vmem>> -> memref<1x200x32xf32, #tpu.memory_space<vmem>>
      %dma_start3A_683 = tpu.memref_squeeze %dma_start3A_682 : memref<1x200x32xf32, #tpu.memory_space<vmem>> -> memref<200x32xf32, #tpu.memory_space<vmem>>
      %dma_start3A_684 = arith.constant 0 : i32
      %dma_start3A_685 = arith.constant 0 : i32
      %dma_start3A_686 = tpu.memref_slice %arg4[%add3A_679, %dma_start3A_684, %dma_start3A_685] : memref<4096x200x32xf32, #tpu.memory_space<hbm>> -> memref<1x200x32xf32, #tpu.memory_space<hbm>>
      %dma_start3A_687 = tpu.memref_squeeze %dma_start3A_686 : memref<1x200x32xf32, #tpu.memory_space<hbm>> -> memref<200x32xf32, #tpu.memory_space<hbm>>
      %dma_start3A_688 = tpu.memref_slice %arg8[%rem3A_620] : memref<2x!tpu.dma_semaphore, #tpu.memory_space<semaphore_mem>> -> memref<1x!tpu.dma_semaphore, #tpu.memory_space<semaphore_mem>>
      %dma_start3A_689 = tpu.memref_squeeze %dma_start3A_688 : memref<1x!tpu.dma_semaphore, #tpu.memory_space<semaphore_mem>> -> memref<!tpu.dma_semaphore, #tpu.memory_space<semaphore_mem>>
      %dma_start3A_690 = arith.constant 0 : i32
      %dma_start3A_691 = arith.constant 0 : i32
      %dma_start3A_692 = tpu.memref_slice %arg4[%add3A_679, %dma_start3A_690, %dma_start3A_691] : memref<4096x200x32xf32, #tpu.memory_space<hbm>> -> memref<1x200x32xf32, #tpu.memory_space<hbm>>
      %dma_start3A_693 = tpu.memref_squeeze %dma_start3A_692 : memref<1x200x32xf32, #tpu.memory_space<hbm>> -> memref<200x32xf32, #tpu.memory_space<hbm>>
      %dma_start3A_694 = arith.constant 200 : i32
      %dma_start3A_695 = arith.constant 0 : i32
      %dma_start3A_696 = tpu.memref_slice %arg6[%rem3A_620, %dma_start3A_694, %dma_start3A_695] : memref<2x1600x32xf32, #tpu.memory_space<vmem>> -> memref<1x200x32xf32, #tpu.memory_space<vmem>>
      %dma_start3A_697 = tpu.memref_squeeze %dma_start3A_696 : memref<1x200x32xf32, #tpu.memory_space<vmem>> -> memref<200x32xf32, #tpu.memory_space<vmem>>
      tpu.enqueue_dma source(%dma_start3A_697 : memref<200x32xf32, #tpu.memory_space<vmem>>) target(%dma_start3A_693 : memref<200x32xf32, #tpu.memory_space<hbm>>) target_semaphore(%dma_start3A_689 : memref<!tpu.dma_semaphore, #tpu.memory_space<semaphore_mem>>)
      %mul3A_698 = arith.constant 8 : i32
      %mul3A_699 = arith.muli %sub3A_651, %mul3A_698 : i32
      %add3A_700 = arith.addi %mul3A_4, %mul3A_699 : i32
      %add3A_701 = arith.constant 2 : i32
      %add3A_702 = arith.addi %add3A_700, %add3A_701 : i32
      %dma_start3A_703 = arith.constant 400 : i32
      %dma_start3A_704 = arith.constant 0 : i32
      %dma_start3A_705 = tpu.memref_slice %arg6[%rem3A_620, %dma_start3A_703, %dma_start3A_704] : memref<2x1600x32xf32, #tpu.memory_space<vmem>> -> memref<1x200x32xf32, #tpu.memory_space<vmem>>
      %dma_start3A_706 = tpu.memref_squeeze %dma_start3A_705 : memref<1x200x32xf32, #tpu.memory_space<vmem>> -> memref<200x32xf32, #tpu.memory_space<vmem>>
      %dma_start3A_707 = arith.constant 0 : i32
      %dma_start3A_708 = arith.constant 0 : i32
      %dma_start3A_709 = tpu.memref_slice %arg4[%add3A_702, %dma_start3A_707, %dma_start3A_708] : memref<4096x200x32xf32, #tpu.memory_space<hbm>> -> memref<1x200x32xf32, #tpu.memory_space<hbm>>
      %dma_start3A_710 = tpu.memref_squeeze %dma_start3A_709 : memref<1x200x32xf32, #tpu.memory_space<hbm>> -> memref<200x32xf32, #tpu.memory_space<hbm>>
      %dma_start3A_711 = tpu.memref_slice %arg8[%rem3A_620] : memref<2x!tpu.dma_semaphore, #tpu.memory_space<semaphore_mem>> -> memref<1x!tpu.dma_semaphore, #tpu.memory_space<semaphore_mem>>
      %dma_start3A_712 = tpu.memref_squeeze %dma_start3A_711 : memref<1x!tpu.dma_semaphore, #tpu.memory_space<semaphore_mem>> -> memref<!tpu.dma_semaphore, #tpu.memory_space<semaphore_mem>>
      %dma_start3A_713 = arith.constant 0 : i32
      %dma_start3A_714 = arith.constant 0 : i32
      %dma_start3A_715 = tpu.memref_slice %arg4[%add3A_702, %dma_start3A_713, %dma_start3A_714] : memref<4096x200x32xf32, #tpu.memory_space<hbm>> -> memref<1x200x32xf32, #tpu.memory_space<hbm>>
      %dma_start3A_716 = tpu.memref_squeeze %dma_start3A_715 : memref<1x200x32xf32, #tpu.memory_space<hbm>> -> memref<200x32xf32, #tpu.memory_space<hbm>>
      %dma_start3A_717 = arith.constant 400 : i32
      %dma_start3A_718 = arith.constant 0 : i32
      %dma_start3A_719 = tpu.memref_slice %arg6[%rem3A_620, %dma_start3A_717, %dma_start3A_718] : memref<2x1600x32xf32, #tpu.memory_space<vmem>> -> memref<1x200x32xf32, #tpu.memory_space<vmem>>
      %dma_start3A_720 = tpu.memref_squeeze %dma_start3A_719 : memref<1x200x32xf32, #tpu.memory_space<vmem>> -> memref<200x32xf32, #tpu.memory_space<vmem>>
      tpu.enqueue_dma source(%dma_start3A_720 : memref<200x32xf32, #tpu.memory_space<vmem>>) target(%dma_start3A_716 : memref<200x32xf32, #tpu.memory_space<hbm>>) target_semaphore(%dma_start3A_712 : memref<!tpu.dma_semaphore, #tpu.memory_space<semaphore_mem>>)
      %mul3A_721 = arith.constant 8 : i32
      %mul3A_722 = arith.muli %sub3A_651, %mul3A_721 : i32
      %add3A_723 = arith.addi %mul3A_4, %mul3A_722 : i32
      %add3A_724 = arith.constant 3 : i32
      %add3A_725 = arith.addi %add3A_723, %add3A_724 : i32
      %dma_start3A_726 = arith.constant 600 : i32
      %dma_start3A_727 = arith.constant 0 : i32
      %dma_start3A_728 = tpu.memref_slice %arg6[%rem3A_620, %dma_start3A_726, %dma_start3A_727] : memref<2x1600x32xf32, #tpu.memory_space<vmem>> -> memref<1x200x32xf32, #tpu.memory_space<vmem>>
      %dma_start3A_729 = tpu.memref_squeeze %dma_start3A_728 : memref<1x200x32xf32, #tpu.memory_space<vmem>> -> memref<200x32xf32, #tpu.memory_space<vmem>>
      %dma_start3A_730 = arith.constant 0 : i32
      %dma_start3A_731 = arith.constant 0 : i32
      %dma_start3A_732 = tpu.memref_slice %arg4[%add3A_725, %dma_start3A_730, %dma_start3A_731] : memref<4096x200x32xf32, #tpu.memory_space<hbm>> -> memref<1x200x32xf32, #tpu.memory_space<hbm>>
      %dma_start3A_733 = tpu.memref_squeeze %dma_start3A_732 : memref<1x200x32xf32, #tpu.memory_space<hbm>> -> memref<200x32xf32, #tpu.memory_space<hbm>>
      %dma_start3A_734 = tpu.memref_slice %arg8[%rem3A_620] : memref<2x!tpu.dma_semaphore, #tpu.memory_space<semaphore_mem>> -> memref<1x!tpu.dma_semaphore, #tpu.memory_space<semaphore_mem>>
      %dma_start3A_735 = tpu.memref_squeeze %dma_start3A_734 : memref<1x!tpu.dma_semaphore, #tpu.memory_space<semaphore_mem>> -> memref<!tpu.dma_semaphore, #tpu.memory_space<semaphore_mem>>
      %dma_start3A_736 = arith.constant 0 : i32
      %dma_start3A_737 = arith.constant 0 : i32
      %dma_start3A_738 = tpu.memref_slice %arg4[%add3A_725, %dma_start3A_736, %dma_start3A_737] : memref<4096x200x32xf32, #tpu.memory_space<hbm>> -> memref<1x200x32xf32, #tpu.memory_space<hbm>>
      %dma_start3A_739 = tpu.memref_squeeze %dma_start3A_738 : memref<1x200x32xf32, #tpu.memory_space<hbm>> -> memref<200x32xf32, #tpu.memory_space<hbm>>
      %dma_start3A_740 = arith.constant 600 : i32
      %dma_start3A_741 = arith.constant 0 : i32
      %dma_start3A_742 = tpu.memref_slice %arg6[%rem3A_620, %dma_start3A_740, %dma_start3A_741] : memref<2x1600x32xf32, #tpu.memory_space<vmem>> -> memref<1x200x32xf32, #tpu.memory_space<vmem>>
      %dma_start3A_743 = tpu.memref_squeeze %dma_start3A_742 : memref<1x200x32xf32, #tpu.memory_space<vmem>> -> memref<200x32xf32, #tpu.memory_space<vmem>>
      tpu.enqueue_dma source(%dma_start3A_743 : memref<200x32xf32, #tpu.memory_space<vmem>>) target(%dma_start3A_739 : memref<200x32xf32, #tpu.memory_space<hbm>>) target_semaphore(%dma_start3A_735 : memref<!tpu.dma_semaphore, #tpu.memory_space<semaphore_mem>>)
      %mul3A_744 = arith.constant 8 : i32
      %mul3A_745 = arith.muli %sub3A_651, %mul3A_744 : i32
      %add3A_746 = arith.addi %mul3A_4, %mul3A_745 : i32
      %add3A_747 = arith.constant 4 : i32
      %add3A_748 = arith.addi %add3A_746, %add3A_747 : i32
      %dma_start3A_749 = arith.constant 800 : i32
      %dma_start3A_750 = arith.constant 0 : i32
      %dma_start3A_751 = tpu.memref_slice %arg6[%rem3A_620, %dma_start3A_749, %dma_start3A_750] : memref<2x1600x32xf32, #tpu.memory_space<vmem>> -> memref<1x200x32xf32, #tpu.memory_space<vmem>>
      %dma_start3A_752 = tpu.memref_squeeze %dma_start3A_751 : memref<1x200x32xf32, #tpu.memory_space<vmem>> -> memref<200x32xf32, #tpu.memory_space<vmem>>
      %dma_start3A_753 = arith.constant 0 : i32
      %dma_start3A_754 = arith.constant 0 : i32
      %dma_start3A_755 = tpu.memref_slice %arg4[%add3A_748, %dma_start3A_753, %dma_start3A_754] : memref<4096x200x32xf32, #tpu.memory_space<hbm>> -> memref<1x200x32xf32, #tpu.memory_space<hbm>>
      %dma_start3A_756 = tpu.memref_squeeze %dma_start3A_755 : memref<1x200x32xf32, #tpu.memory_space<hbm>> -> memref<200x32xf32, #tpu.memory_space<hbm>>
      %dma_start3A_757 = tpu.memref_slice %arg8[%rem3A_620] : memref<2x!tpu.dma_semaphore, #tpu.memory_space<semaphore_mem>> -> memref<1x!tpu.dma_semaphore, #tpu.memory_space<semaphore_mem>>
      %dma_start3A_758 = tpu.memref_squeeze %dma_start3A_757 : memref<1x!tpu.dma_semaphore, #tpu.memory_space<semaphore_mem>> -> memref<!tpu.dma_semaphore, #tpu.memory_space<semaphore_mem>>
      %dma_start3A_759 = arith.constant 0 : i32
      %dma_start3A_760 = arith.constant 0 : i32
      %dma_start3A_761 = tpu.memref_slice %arg4[%add3A_748, %dma_start3A_759, %dma_start3A_760] : memref<4096x200x32xf32, #tpu.memory_space<hbm>> -> memref<1x200x32xf32, #tpu.memory_space<hbm>>
      %dma_start3A_762 = tpu.memref_squeeze %dma_start3A_761 : memref<1x200x32xf32, #tpu.memory_space<hbm>> -> memref<200x32xf32, #tpu.memory_space<hbm>>
      %dma_start3A_763 = arith.constant 800 : i32
      %dma_start3A_764 = arith.constant 0 : i32
      %dma_start3A_765 = tpu.memref_slice %arg6[%rem3A_620, %dma_start3A_763, %dma_start3A_764] : memref<2x1600x32xf32, #tpu.memory_space<vmem>> -> memref<1x200x32xf32, #tpu.memory_space<vmem>>
      %dma_start3A_766 = tpu.memref_squeeze %dma_start3A_765 : memref<1x200x32xf32, #tpu.memory_space<vmem>> -> memref<200x32xf32, #tpu.memory_space<vmem>>
      tpu.enqueue_dma source(%dma_start3A_766 : memref<200x32xf32, #tpu.memory_space<vmem>>) target(%dma_start3A_762 : memref<200x32xf32, #tpu.memory_space<hbm>>) target_semaphore(%dma_start3A_758 : memref<!tpu.dma_semaphore, #tpu.memory_space<semaphore_mem>>)
      %mul3A_767 = arith.constant 8 : i32
      %mul3A_768 = arith.muli %sub3A_651, %mul3A_767 : i32
      %add3A_769 = arith.addi %mul3A_4, %mul3A_768 : i32
      %add3A_770 = arith.constant 5 : i32
      %add3A_771 = arith.addi %add3A_769, %add3A_770 : i32
      %dma_start3A_772 = arith.constant 1000 : i32
      %dma_start3A_773 = arith.constant 0 : i32
      %dma_start3A_774 = tpu.memref_slice %arg6[%rem3A_620, %dma_start3A_772, %dma_start3A_773] : memref<2x1600x32xf32, #tpu.memory_space<vmem>> -> memref<1x200x32xf32, #tpu.memory_space<vmem>>
      %dma_start3A_775 = tpu.memref_squeeze %dma_start3A_774 : memref<1x200x32xf32, #tpu.memory_space<vmem>> -> memref<200x32xf32, #tpu.memory_space<vmem>>
      %dma_start3A_776 = arith.constant 0 : i32
      %dma_start3A_777 = arith.constant 0 : i32
      %dma_start3A_778 = tpu.memref_slice %arg4[%add3A_771, %dma_start3A_776, %dma_start3A_777] : memref<4096x200x32xf32, #tpu.memory_space<hbm>> -> memref<1x200x32xf32, #tpu.memory_space<hbm>>
      %dma_start3A_779 = tpu.memref_squeeze %dma_start3A_778 : memref<1x200x32xf32, #tpu.memory_space<hbm>> -> memref<200x32xf32, #tpu.memory_space<hbm>>
      %dma_start3A_780 = tpu.memref_slice %arg8[%rem3A_620] : memref<2x!tpu.dma_semaphore, #tpu.memory_space<semaphore_mem>> -> memref<1x!tpu.dma_semaphore, #tpu.memory_space<semaphore_mem>>
      %dma_start3A_781 = tpu.memref_squeeze %dma_start3A_780 : memref<1x!tpu.dma_semaphore, #tpu.memory_space<semaphore_mem>> -> memref<!tpu.dma_semaphore, #tpu.memory_space<semaphore_mem>>
      %dma_start3A_782 = arith.constant 0 : i32
      %dma_start3A_783 = arith.constant 0 : i32
      %dma_start3A_784 = tpu.memref_slice %arg4[%add3A_771, %dma_start3A_782, %dma_start3A_783] : memref<4096x200x32xf32, #tpu.memory_space<hbm>> -> memref<1x200x32xf32, #tpu.memory_space<hbm>>
      %dma_start3A_785 = tpu.memref_squeeze %dma_start3A_784 : memref<1x200x32xf32, #tpu.memory_space<hbm>> -> memref<200x32xf32, #tpu.memory_space<hbm>>
      %dma_start3A_786 = arith.constant 1000 : i32
      %dma_start3A_787 = arith.constant 0 : i32
      %dma_start3A_788 = tpu.memref_slice %arg6[%rem3A_620, %dma_start3A_786, %dma_start3A_787] : memref<2x1600x32xf32, #tpu.memory_space<vmem>> -> memref<1x200x32xf32, #tpu.memory_space<vmem>>
      %dma_start3A_789 = tpu.memref_squeeze %dma_start3A_788 : memref<1x200x32xf32, #tpu.memory_space<vmem>> -> memref<200x32xf32, #tpu.memory_space<vmem>>
      tpu.enqueue_dma source(%dma_start3A_789 : memref<200x32xf32, #tpu.memory_space<vmem>>) target(%dma_start3A_785 : memref<200x32xf32, #tpu.memory_space<hbm>>) target_semaphore(%dma_start3A_781 : memref<!tpu.dma_semaphore, #tpu.memory_space<semaphore_mem>>)
      %mul3A_790 = arith.constant 8 : i32
      %mul3A_791 = arith.muli %sub3A_651, %mul3A_790 : i32
      %add3A_792 = arith.addi %mul3A_4, %mul3A_791 : i32
      %add3A_793 = arith.constant 6 : i32
      %add3A_794 = arith.addi %add3A_792, %add3A_793 : i32
      %dma_start3A_795 = arith.constant 1200 : i32
      %dma_start3A_796 = arith.constant 0 : i32
      %dma_start3A_797 = tpu.memref_slice %arg6[%rem3A_620, %dma_start3A_795, %dma_start3A_796] : memref<2x1600x32xf32, #tpu.memory_space<vmem>> -> memref<1x200x32xf32, #tpu.memory_space<vmem>>
      %dma_start3A_798 = tpu.memref_squeeze %dma_start3A_797 : memref<1x200x32xf32, #tpu.memory_space<vmem>> -> memref<200x32xf32, #tpu.memory_space<vmem>>
      %dma_start3A_799 = arith.constant 0 : i32
      %dma_start3A_800 = arith.constant 0 : i32
      %dma_start3A_801 = tpu.memref_slice %arg4[%add3A_794, %dma_start3A_799, %dma_start3A_800] : memref<4096x200x32xf32, #tpu.memory_space<hbm>> -> memref<1x200x32xf32, #tpu.memory_space<hbm>>
      %dma_start3A_802 = tpu.memref_squeeze %dma_start3A_801 : memref<1x200x32xf32, #tpu.memory_space<hbm>> -> memref<200x32xf32, #tpu.memory_space<hbm>>
      %dma_start3A_803 = tpu.memref_slice %arg8[%rem3A_620] : memref<2x!tpu.dma_semaphore, #tpu.memory_space<semaphore_mem>> -> memref<1x!tpu.dma_semaphore, #tpu.memory_space<semaphore_mem>>
      %dma_start3A_804 = tpu.memref_squeeze %dma_start3A_803 : memref<1x!tpu.dma_semaphore, #tpu.memory_space<semaphore_mem>> -> memref<!tpu.dma_semaphore, #tpu.memory_space<semaphore_mem>>
      %dma_start3A_805 = arith.constant 0 : i32
      %dma_start3A_806 = arith.constant 0 : i32
      %dma_start3A_807 = tpu.memref_slice %arg4[%add3A_794, %dma_start3A_805, %dma_start3A_806] : memref<4096x200x32xf32, #tpu.memory_space<hbm>> -> memref<1x200x32xf32, #tpu.memory_space<hbm>>
      %dma_start3A_808 = tpu.memref_squeeze %dma_start3A_807 : memref<1x200x32xf32, #tpu.memory_space<hbm>> -> memref<200x32xf32, #tpu.memory_space<hbm>>
      %dma_start3A_809 = arith.constant 1200 : i32
      %dma_start3A_810 = arith.constant 0 : i32
      %dma_start3A_811 = tpu.memref_slice %arg6[%rem3A_620, %dma_start3A_809, %dma_start3A_810] : memref<2x1600x32xf32, #tpu.memory_space<vmem>> -> memref<1x200x32xf32, #tpu.memory_space<vmem>>
      %dma_start3A_812 = tpu.memref_squeeze %dma_start3A_811 : memref<1x200x32xf32, #tpu.memory_space<vmem>> -> memref<200x32xf32, #tpu.memory_space<vmem>>
      tpu.enqueue_dma source(%dma_start3A_812 : memref<200x32xf32, #tpu.memory_space<vmem>>) target(%dma_start3A_808 : memref<200x32xf32, #tpu.memory_space<hbm>>) target_semaphore(%dma_start3A_804 : memref<!tpu.dma_semaphore, #tpu.memory_space<semaphore_mem>>)
      %mul3A_813 = arith.constant 8 : i32
      %mul3A_814 = arith.muli %sub3A_651, %mul3A_813 : i32
      %add3A_815 = arith.addi %mul3A_4, %mul3A_814 : i32
      %add3A_816 = arith.constant 7 : i32
      %add3A_817 = arith.addi %add3A_815, %add3A_816 : i32
      %dma_start3A_818 = arith.constant 1400 : i32
      %dma_start3A_819 = arith.constant 0 : i32
      %dma_start3A_820 = tpu.memref_slice %arg6[%rem3A_620, %dma_start3A_818, %dma_start3A_819] : memref<2x1600x32xf32, #tpu.memory_space<vmem>> -> memref<1x200x32xf32, #tpu.memory_space<vmem>>
      %dma_start3A_821 = tpu.memref_squeeze %dma_start3A_820 : memref<1x200x32xf32, #tpu.memory_space<vmem>> -> memref<200x32xf32, #tpu.memory_space<vmem>>
      %dma_start3A_822 = arith.constant 0 : i32
      %dma_start3A_823 = arith.constant 0 : i32
      %dma_start3A_824 = tpu.memref_slice %arg4[%add3A_817, %dma_start3A_822, %dma_start3A_823] : memref<4096x200x32xf32, #tpu.memory_space<hbm>> -> memref<1x200x32xf32, #tpu.memory_space<hbm>>
      %dma_start3A_825 = tpu.memref_squeeze %dma_start3A_824 : memref<1x200x32xf32, #tpu.memory_space<hbm>> -> memref<200x32xf32, #tpu.memory_space<hbm>>
      %dma_start3A_826 = tpu.memref_slice %arg8[%rem3A_620] : memref<2x!tpu.dma_semaphore, #tpu.memory_space<semaphore_mem>> -> memref<1x!tpu.dma_semaphore, #tpu.memory_space<semaphore_mem>>
      %dma_start3A_827 = tpu.memref_squeeze %dma_start3A_826 : memref<1x!tpu.dma_semaphore, #tpu.memory_space<semaphore_mem>> -> memref<!tpu.dma_semaphore, #tpu.memory_space<semaphore_mem>>
      %dma_start3A_828 = arith.constant 0 : i32
      %dma_start3A_829 = arith.constant 0 : i32
      %dma_start3A_830 = tpu.memref_slice %arg4[%add3A_817, %dma_start3A_828, %dma_start3A_829] : memref<4096x200x32xf32, #tpu.memory_space<hbm>> -> memref<1x200x32xf32, #tpu.memory_space<hbm>>
      %dma_start3A_831 = tpu.memref_squeeze %dma_start3A_830 : memref<1x200x32xf32, #tpu.memory_space<hbm>> -> memref<200x32xf32, #tpu.memory_space<hbm>>
      %dma_start3A_832 = arith.constant 1400 : i32
      %dma_start3A_833 = arith.constant 0 : i32
      %dma_start3A_834 = tpu.memref_slice %arg6[%rem3A_620, %dma_start3A_832, %dma_start3A_833] : memref<2x1600x32xf32, #tpu.memory_space<vmem>> -> memref<1x200x32xf32, #tpu.memory_space<vmem>>
      %dma_start3A_835 = tpu.memref_squeeze %dma_start3A_834 : memref<1x200x32xf32, #tpu.memory_space<vmem>> -> memref<200x32xf32, #tpu.memory_space<vmem>>
      tpu.enqueue_dma source(%dma_start3A_835 : memref<200x32xf32, #tpu.memory_space<vmem>>) target(%dma_start3A_831 : memref<200x32xf32, #tpu.memory_space<hbm>>) target_semaphore(%dma_start3A_827 : memref<!tpu.dma_semaphore, #tpu.memory_space<semaphore_mem>>)
    }
    %scan3A_25 = arith.constant 15 : i32
    %dma_wait3A = arith.constant 1 : i32
    %dma_wait3A_26 = arith.constant 1 : i32
    %dma_wait3A_27 = arith.constant 1 : i32
    %dma_wait3A_28 = arith.constant 0 : i32
    %dma_wait3A_29 = arith.constant 0 : i32
    %dma_wait3A_30 = tpu.memref_slice %arg6[%dma_wait3A_26, %dma_wait3A_28, %dma_wait3A_29] : memref<2x1600x32xf32, #tpu.memory_space<vmem>> -> memref<1x1600x32xf32, #tpu.memory_space<vmem>>
    %dma_wait3A_31 = tpu.memref_squeeze %dma_wait3A_30 : memref<1x1600x32xf32, #tpu.memory_space<vmem>> -> memref<1600x32xf32, #tpu.memory_space<vmem>>
    %dma_wait3A_32 = arith.constant 0 : i32
    %dma_wait3A_33 = tpu.memref_slice %arg5[%dma_wait3A, %dma_wait3A_32] : memref<2x1600xi32, #tpu.memory_space<vmem>> -> memref<1x1600xi32, #tpu.memory_space<vmem>>
    %dma_wait3A_34 = tpu.memref_squeeze %dma_wait3A_33 : memref<1x1600xi32, #tpu.memory_space<vmem>> -> memref<1600xi32, #tpu.memory_space<vmem>>
    %dma_wait3A_35 = arith.constant 0 : i32
    %dma_wait3A_36 = arith.constant 0 : i32
    %dma_wait3A_37 = tpu.memref_slice %arg2[%dma_wait3A_35, %dma_wait3A_36] : memref<1015808x32xf32, #tpu.memory_space<hbm>> -> memref<1015808x32xf32, #tpu.memory_space<hbm>>
    %dma_wait3A_38 = tpu.memref_slice %arg7[%dma_wait3A_27] : memref<2x!tpu.dma_semaphore, #tpu.memory_space<semaphore_mem>> -> memref<1x!tpu.dma_semaphore, #tpu.memory_space<semaphore_mem>>
    %dma_wait3A_39 = tpu.memref_squeeze %dma_wait3A_38 : memref<1x!tpu.dma_semaphore, #tpu.memory_space<semaphore_mem>> -> memref<!tpu.dma_semaphore, #tpu.memory_space<semaphore_mem>>
    tpu.wait_indirect_dma semaphore(%dma_wait3A_39 : memref<!tpu.dma_semaphore, #tpu.memory_space<semaphore_mem>>) src(%dma_wait3A_37 : memref<1015808x32xf32, #tpu.memory_space<hbm>>) dst(%dma_wait3A_31 : memref<1600x32xf32, #tpu.memory_space<vmem>>)
    %add3A_40 = arith.constant 120 : i32
    %add3A_41 = arith.addi %mul3A_4, %add3A_40 : i32
    %add3A_42 = arith.constant 0 : i32
    %add3A_43 = arith.addi %add3A_41, %add3A_42 : i32
    %dma_start3A_44 = arith.constant 1 : i32
    %dma_start3A_45 = arith.constant 1 : i32
    %dma_start3A_46 = arith.constant 0 : i32
    %dma_start3A_47 = arith.constant 0 : i32
    %dma_start3A_48 = tpu.memref_slice %arg6[%dma_start3A_44, %dma_start3A_46, %dma_start3A_47] : memref<2x1600x32xf32, #tpu.memory_space<vmem>> -> memref<1x200x32xf32, #tpu.memory_space<vmem>>
    %dma_start3A_49 = tpu.memref_squeeze %dma_start3A_48 : memref<1x200x32xf32, #tpu.memory_space<vmem>> -> memref<200x32xf32, #tpu.memory_space<vmem>>
    %dma_start3A_50 = arith.constant 0 : i32
    %dma_start3A_51 = arith.constant 0 : i32
    %dma_start3A_52 = tpu.memref_slice %arg4[%add3A_43, %dma_start3A_50, %dma_start3A_51] : memref<4096x200x32xf32, #tpu.memory_space<hbm>> -> memref<1x200x32xf32, #tpu.memory_space<hbm>>
    %dma_start3A_53 = tpu.memref_squeeze %dma_start3A_52 : memref<1x200x32xf32, #tpu.memory_space<hbm>> -> memref<200x32xf32, #tpu.memory_space<hbm>>
    %dma_start3A_54 = tpu.memref_slice %arg8[%dma_start3A_45] : memref<2x!tpu.dma_semaphore, #tpu.memory_space<semaphore_mem>> -> memref<1x!tpu.dma_semaphore, #tpu.memory_space<semaphore_mem>>
    %dma_start3A_55 = tpu.memref_squeeze %dma_start3A_54 : memref<1x!tpu.dma_semaphore, #tpu.memory_space<semaphore_mem>> -> memref<!tpu.dma_semaphore, #tpu.memory_space<semaphore_mem>>
    %dma_start3A_56 = arith.constant 0 : i32
    %dma_start3A_57 = arith.constant 0 : i32
    %dma_start3A_58 = tpu.memref_slice %arg4[%add3A_43, %dma_start3A_56, %dma_start3A_57] : memref<4096x200x32xf32, #tpu.memory_space<hbm>> -> memref<1x200x32xf32, #tpu.memory_space<hbm>>
    %dma_start3A_59 = tpu.memref_squeeze %dma_start3A_58 : memref<1x200x32xf32, #tpu.memory_space<hbm>> -> memref<200x32xf32, #tpu.memory_space<hbm>>
    %dma_start3A_60 = arith.constant 0 : i32
    %dma_start3A_61 = arith.constant 0 : i32
    %dma_start3A_62 = tpu.memref_slice %arg6[%dma_start3A_44, %dma_start3A_60, %dma_start3A_61] : memref<2x1600x32xf32, #tpu.memory_space<vmem>> -> memref<1x200x32xf32, #tpu.memory_space<vmem>>
    %dma_start3A_63 = tpu.memref_squeeze %dma_start3A_62 : memref<1x200x32xf32, #tpu.memory_space<vmem>> -> memref<200x32xf32, #tpu.memory_space<vmem>>
    tpu.enqueue_dma source(%dma_start3A_63 : memref<200x32xf32, #tpu.memory_space<vmem>>) target(%dma_start3A_59 : memref<200x32xf32, #tpu.memory_space<hbm>>) target_semaphore(%dma_start3A_55 : memref<!tpu.dma_semaphore, #tpu.memory_space<semaphore_mem>>)
    %add3A_64 = arith.constant 120 : i32
    %add3A_65 = arith.addi %mul3A_4, %add3A_64 : i32
    %add3A_66 = arith.constant 1 : i32
    %add3A_67 = arith.addi %add3A_65, %add3A_66 : i32
    %dma_start3A_68 = arith.constant 1 : i32
    %dma_start3A_69 = arith.constant 1 : i32
    %dma_start3A_70 = arith.constant 200 : i32
    %dma_start3A_71 = arith.constant 0 : i32
    %dma_start3A_72 = tpu.memref_slice %arg6[%dma_start3A_68, %dma_start3A_70, %dma_start3A_71] : memref<2x1600x32xf32, #tpu.memory_space<vmem>> -> memref<1x200x32xf32, #tpu.memory_space<vmem>>
    %dma_start3A_73 = tpu.memref_squeeze %dma_start3A_72 : memref<1x200x32xf32, #tpu.memory_space<vmem>> -> memref<200x32xf32, #tpu.memory_space<vmem>>
    %dma_start3A_74 = arith.constant 0 : i32
    %dma_start3A_75 = arith.constant 0 : i32
    %dma_start3A_76 = tpu.memref_slice %arg4[%add3A_67, %dma_start3A_74, %dma_start3A_75] : memref<4096x200x32xf32, #tpu.memory_space<hbm>> -> memref<1x200x32xf32, #tpu.memory_space<hbm>>
    %dma_start3A_77 = tpu.memref_squeeze %dma_start3A_76 : memref<1x200x32xf32, #tpu.memory_space<hbm>> -> memref<200x32xf32, #tpu.memory_space<hbm>>
    %dma_start3A_78 = tpu.memref_slice %arg8[%dma_start3A_69] : memref<2x!tpu.dma_semaphore, #tpu.memory_space<semaphore_mem>> -> memref<1x!tpu.dma_semaphore, #tpu.memory_space<semaphore_mem>>
    %dma_start3A_79 = tpu.memref_squeeze %dma_start3A_78 : memref<1x!tpu.dma_semaphore, #tpu.memory_space<semaphore_mem>> -> memref<!tpu.dma_semaphore, #tpu.memory_space<semaphore_mem>>
    %dma_start3A_80 = arith.constant 0 : i32
    %dma_start3A_81 = arith.constant 0 : i32
    %dma_start3A_82 = tpu.memref_slice %arg4[%add3A_67, %dma_start3A_80, %dma_start3A_81] : memref<4096x200x32xf32, #tpu.memory_space<hbm>> -> memref<1x200x32xf32, #tpu.memory_space<hbm>>
    %dma_start3A_83 = tpu.memref_squeeze %dma_start3A_82 : memref<1x200x32xf32, #tpu.memory_space<hbm>> -> memref<200x32xf32, #tpu.memory_space<hbm>>
    %dma_start3A_84 = arith.constant 200 : i32
    %dma_start3A_85 = arith.constant 0 : i32
    %dma_start3A_86 = tpu.memref_slice %arg6[%dma_start3A_68, %dma_start3A_84, %dma_start3A_85] : memref<2x1600x32xf32, #tpu.memory_space<vmem>> -> memref<1x200x32xf32, #tpu.memory_space<vmem>>
    %dma_start3A_87 = tpu.memref_squeeze %dma_start3A_86 : memref<1x200x32xf32, #tpu.memory_space<vmem>> -> memref<200x32xf32, #tpu.memory_space<vmem>>
    tpu.enqueue_dma source(%dma_start3A_87 : memref<200x32xf32, #tpu.memory_space<vmem>>) target(%dma_start3A_83 : memref<200x32xf32, #tpu.memory_space<hbm>>) target_semaphore(%dma_start3A_79 : memref<!tpu.dma_semaphore, #tpu.memory_space<semaphore_mem>>)
    %add3A_88 = arith.constant 120 : i32
    %add3A_89 = arith.addi %mul3A_4, %add3A_88 : i32
    %add3A_90 = arith.constant 2 : i32
    %add3A_91 = arith.addi %add3A_89, %add3A_90 : i32
    %dma_start3A_92 = arith.constant 1 : i32
    %dma_start3A_93 = arith.constant 1 : i32
    %dma_start3A_94 = arith.constant 400 : i32
    %dma_start3A_95 = arith.constant 0 : i32
    %dma_start3A_96 = tpu.memref_slice %arg6[%dma_start3A_92, %dma_start3A_94, %dma_start3A_95] : memref<2x1600x32xf32, #tpu.memory_space<vmem>> -> memref<1x200x32xf32, #tpu.memory_space<vmem>>
    %dma_start3A_97 = tpu.memref_squeeze %dma_start3A_96 : memref<1x200x32xf32, #tpu.memory_space<vmem>> -> memref<200x32xf32, #tpu.memory_space<vmem>>
    %dma_start3A_98 = arith.constant 0 : i32
    %dma_start3A_99 = arith.constant 0 : i32
    %dma_start3A_100 = tpu.memref_slice %arg4[%add3A_91, %dma_start3A_98, %dma_start3A_99] : memref<4096x200x32xf32, #tpu.memory_space<hbm>> -> memref<1x200x32xf32, #tpu.memory_space<hbm>>
    %dma_start3A_101 = tpu.memref_squeeze %dma_start3A_100 : memref<1x200x32xf32, #tpu.memory_space<hbm>> -> memref<200x32xf32, #tpu.memory_space<hbm>>
    %dma_start3A_102 = tpu.memref_slice %arg8[%dma_start3A_93] : memref<2x!tpu.dma_semaphore, #tpu.memory_space<semaphore_mem>> -> memref<1x!tpu.dma_semaphore, #tpu.memory_space<semaphore_mem>>
    %dma_start3A_103 = tpu.memref_squeeze %dma_start3A_102 : memref<1x!tpu.dma_semaphore, #tpu.memory_space<semaphore_mem>> -> memref<!tpu.dma_semaphore, #tpu.memory_space<semaphore_mem>>
    %dma_start3A_104 = arith.constant 0 : i32
    %dma_start3A_105 = arith.constant 0 : i32
    %dma_start3A_106 = tpu.memref_slice %arg4[%add3A_91, %dma_start3A_104, %dma_start3A_105] : memref<4096x200x32xf32, #tpu.memory_space<hbm>> -> memref<1x200x32xf32, #tpu.memory_space<hbm>>
    %dma_start3A_107 = tpu.memref_squeeze %dma_start3A_106 : memref<1x200x32xf32, #tpu.memory_space<hbm>> -> memref<200x32xf32, #tpu.memory_space<hbm>>
    %dma_start3A_108 = arith.constant 400 : i32
    %dma_start3A_109 = arith.constant 0 : i32
    %dma_start3A_110 = tpu.memref_slice %arg6[%dma_start3A_92, %dma_start3A_108, %dma_start3A_109] : memref<2x1600x32xf32, #tpu.memory_space<vmem>> -> memref<1x200x32xf32, #tpu.memory_space<vmem>>
    %dma_start3A_111 = tpu.memref_squeeze %dma_start3A_110 : memref<1x200x32xf32, #tpu.memory_space<vmem>> -> memref<200x32xf32, #tpu.memory_space<vmem>>
    tpu.enqueue_dma source(%dma_start3A_111 : memref<200x32xf32, #tpu.memory_space<vmem>>) target(%dma_start3A_107 : memref<200x32xf32, #tpu.memory_space<hbm>>) target_semaphore(%dma_start3A_103 : memref<!tpu.dma_semaphore, #tpu.memory_space<semaphore_mem>>)
    %add3A_112 = arith.constant 120 : i32
    %add3A_113 = arith.addi %mul3A_4, %add3A_112 : i32
    %add3A_114 = arith.constant 3 : i32
    %add3A_115 = arith.addi %add3A_113, %add3A_114 : i32
    %dma_start3A_116 = arith.constant 1 : i32
    %dma_start3A_117 = arith.constant 1 : i32
    %dma_start3A_118 = arith.constant 600 : i32
    %dma_start3A_119 = arith.constant 0 : i32
    %dma_start3A_120 = tpu.memref_slice %arg6[%dma_start3A_116, %dma_start3A_118, %dma_start3A_119] : memref<2x1600x32xf32, #tpu.memory_space<vmem>> -> memref<1x200x32xf32, #tpu.memory_space<vmem>>
    %dma_start3A_121 = tpu.memref_squeeze %dma_start3A_120 : memref<1x200x32xf32, #tpu.memory_space<vmem>> -> memref<200x32xf32, #tpu.memory_space<vmem>>
    %dma_start3A_122 = arith.constant 0 : i32
    %dma_start3A_123 = arith.constant 0 : i32
    %dma_start3A_124 = tpu.memref_slice %arg4[%add3A_115, %dma_start3A_122, %dma_start3A_123] : memref<4096x200x32xf32, #tpu.memory_space<hbm>> -> memref<1x200x32xf32, #tpu.memory_space<hbm>>
    %dma_start3A_125 = tpu.memref_squeeze %dma_start3A_124 : memref<1x200x32xf32, #tpu.memory_space<hbm>> -> memref<200x32xf32, #tpu.memory_space<hbm>>
    %dma_start3A_126 = tpu.memref_slice %arg8[%dma_start3A_117] : memref<2x!tpu.dma_semaphore, #tpu.memory_space<semaphore_mem>> -> memref<1x!tpu.dma_semaphore, #tpu.memory_space<semaphore_mem>>
    %dma_start3A_127 = tpu.memref_squeeze %dma_start3A_126 : memref<1x!tpu.dma_semaphore, #tpu.memory_space<semaphore_mem>> -> memref<!tpu.dma_semaphore, #tpu.memory_space<semaphore_mem>>
    %dma_start3A_128 = arith.constant 0 : i32
    %dma_start3A_129 = arith.constant 0 : i32
    %dma_start3A_130 = tpu.memref_slice %arg4[%add3A_115, %dma_start3A_128, %dma_start3A_129] : memref<4096x200x32xf32, #tpu.memory_space<hbm>> -> memref<1x200x32xf32, #tpu.memory_space<hbm>>
    %dma_start3A_131 = tpu.memref_squeeze %dma_start3A_130 : memref<1x200x32xf32, #tpu.memory_space<hbm>> -> memref<200x32xf32, #tpu.memory_space<hbm>>
    %dma_start3A_132 = arith.constant 600 : i32
    %dma_start3A_133 = arith.constant 0 : i32
    %dma_start3A_134 = tpu.memref_slice %arg6[%dma_start3A_116, %dma_start3A_132, %dma_start3A_133] : memref<2x1600x32xf32, #tpu.memory_space<vmem>> -> memref<1x200x32xf32, #tpu.memory_space<vmem>>
    %dma_start3A_135 = tpu.memref_squeeze %dma_start3A_134 : memref<1x200x32xf32, #tpu.memory_space<vmem>> -> memref<200x32xf32, #tpu.memory_space<vmem>>
    tpu.enqueue_dma source(%dma_start3A_135 : memref<200x32xf32, #tpu.memory_space<vmem>>) target(%dma_start3A_131 : memref<200x32xf32, #tpu.memory_space<hbm>>) target_semaphore(%dma_start3A_127 : memref<!tpu.dma_semaphore, #tpu.memory_space<semaphore_mem>>)
    %add3A_136 = arith.constant 120 : i32
    %add3A_137 = arith.addi %mul3A_4, %add3A_136 : i32
    %add3A_138 = arith.constant 4 : i32
    %add3A_139 = arith.addi %add3A_137, %add3A_138 : i32
    %dma_start3A_140 = arith.constant 1 : i32
    %dma_start3A_141 = arith.constant 1 : i32
    %dma_start3A_142 = arith.constant 800 : i32
    %dma_start3A_143 = arith.constant 0 : i32
    %dma_start3A_144 = tpu.memref_slice %arg6[%dma_start3A_140, %dma_start3A_142, %dma_start3A_143] : memref<2x1600x32xf32, #tpu.memory_space<vmem>> -> memref<1x200x32xf32, #tpu.memory_space<vmem>>
    %dma_start3A_145 = tpu.memref_squeeze %dma_start3A_144 : memref<1x200x32xf32, #tpu.memory_space<vmem>> -> memref<200x32xf32, #tpu.memory_space<vmem>>
    %dma_start3A_146 = arith.constant 0 : i32
    %dma_start3A_147 = arith.constant 0 : i32
    %dma_start3A_148 = tpu.memref_slice %arg4[%add3A_139, %dma_start3A_146, %dma_start3A_147] : memref<4096x200x32xf32, #tpu.memory_space<hbm>> -> memref<1x200x32xf32, #tpu.memory_space<hbm>>
    %dma_start3A_149 = tpu.memref_squeeze %dma_start3A_148 : memref<1x200x32xf32, #tpu.memory_space<hbm>> -> memref<200x32xf32, #tpu.memory_space<hbm>>
    %dma_start3A_150 = tpu.memref_slice %arg8[%dma_start3A_141] : memref<2x!tpu.dma_semaphore, #tpu.memory_space<semaphore_mem>> -> memref<1x!tpu.dma_semaphore, #tpu.memory_space<semaphore_mem>>
    %dma_start3A_151 = tpu.memref_squeeze %dma_start3A_150 : memref<1x!tpu.dma_semaphore, #tpu.memory_space<semaphore_mem>> -> memref<!tpu.dma_semaphore, #tpu.memory_space<semaphore_mem>>
    %dma_start3A_152 = arith.constant 0 : i32
    %dma_start3A_153 = arith.constant 0 : i32
    %dma_start3A_154 = tpu.memref_slice %arg4[%add3A_139, %dma_start3A_152, %dma_start3A_153] : memref<4096x200x32xf32, #tpu.memory_space<hbm>> -> memref<1x200x32xf32, #tpu.memory_space<hbm>>
    %dma_start3A_155 = tpu.memref_squeeze %dma_start3A_154 : memref<1x200x32xf32, #tpu.memory_space<hbm>> -> memref<200x32xf32, #tpu.memory_space<hbm>>
    %dma_start3A_156 = arith.constant 800 : i32
    %dma_start3A_157 = arith.constant 0 : i32
    %dma_start3A_158 = tpu.memref_slice %arg6[%dma_start3A_140, %dma_start3A_156, %dma_start3A_157] : memref<2x1600x32xf32, #tpu.memory_space<vmem>> -> memref<1x200x32xf32, #tpu.memory_space<vmem>>
    %dma_start3A_159 = tpu.memref_squeeze %dma_start3A_158 : memref<1x200x32xf32, #tpu.memory_space<vmem>> -> memref<200x32xf32, #tpu.memory_space<vmem>>
    tpu.enqueue_dma source(%dma_start3A_159 : memref<200x32xf32, #tpu.memory_space<vmem>>) target(%dma_start3A_155 : memref<200x32xf32, #tpu.memory_space<hbm>>) target_semaphore(%dma_start3A_151 : memref<!tpu.dma_semaphore, #tpu.memory_space<semaphore_mem>>)
    %add3A_160 = arith.constant 120 : i32
    %add3A_161 = arith.addi %mul3A_4, %add3A_160 : i32
    %add3A_162 = arith.constant 5 : i32
    %add3A_163 = arith.addi %add3A_161, %add3A_162 : i32
    %dma_start3A_164 = arith.constant 1 : i32
    %dma_start3A_165 = arith.constant 1 : i32
    %dma_start3A_166 = arith.constant 1000 : i32
    %dma_start3A_167 = arith.constant 0 : i32
    %dma_start3A_168 = tpu.memref_slice %arg6[%dma_start3A_164, %dma_start3A_166, %dma_start3A_167] : memref<2x1600x32xf32, #tpu.memory_space<vmem>> -> memref<1x200x32xf32, #tpu.memory_space<vmem>>
    %dma_start3A_169 = tpu.memref_squeeze %dma_start3A_168 : memref<1x200x32xf32, #tpu.memory_space<vmem>> -> memref<200x32xf32, #tpu.memory_space<vmem>>
    %dma_start3A_170 = arith.constant 0 : i32
    %dma_start3A_171 = arith.constant 0 : i32
    %dma_start3A_172 = tpu.memref_slice %arg4[%add3A_163, %dma_start3A_170, %dma_start3A_171] : memref<4096x200x32xf32, #tpu.memory_space<hbm>> -> memref<1x200x32xf32, #tpu.memory_space<hbm>>
    %dma_start3A_173 = tpu.memref_squeeze %dma_start3A_172 : memref<1x200x32xf32, #tpu.memory_space<hbm>> -> memref<200x32xf32, #tpu.memory_space<hbm>>
    %dma_start3A_174 = tpu.memref_slice %arg8[%dma_start3A_165] : memref<2x!tpu.dma_semaphore, #tpu.memory_space<semaphore_mem>> -> memref<1x!tpu.dma_semaphore, #tpu.memory_space<semaphore_mem>>
    %dma_start3A_175 = tpu.memref_squeeze %dma_start3A_174 : memref<1x!tpu.dma_semaphore, #tpu.memory_space<semaphore_mem>> -> memref<!tpu.dma_semaphore, #tpu.memory_space<semaphore_mem>>
    %dma_start3A_176 = arith.constant 0 : i32
    %dma_start3A_177 = arith.constant 0 : i32
    %dma_start3A_178 = tpu.memref_slice %arg4[%add3A_163, %dma_start3A_176, %dma_start3A_177] : memref<4096x200x32xf32, #tpu.memory_space<hbm>> -> memref<1x200x32xf32, #tpu.memory_space<hbm>>
    %dma_start3A_179 = tpu.memref_squeeze %dma_start3A_178 : memref<1x200x32xf32, #tpu.memory_space<hbm>> -> memref<200x32xf32, #tpu.memory_space<hbm>>
    %dma_start3A_180 = arith.constant 1000 : i32
    %dma_start3A_181 = arith.constant 0 : i32
    %dma_start3A_182 = tpu.memref_slice %arg6[%dma_start3A_164, %dma_start3A_180, %dma_start3A_181] : memref<2x1600x32xf32, #tpu.memory_space<vmem>> -> memref<1x200x32xf32, #tpu.memory_space<vmem>>
    %dma_start3A_183 = tpu.memref_squeeze %dma_start3A_182 : memref<1x200x32xf32, #tpu.memory_space<vmem>> -> memref<200x32xf32, #tpu.memory_space<vmem>>
    tpu.enqueue_dma source(%dma_start3A_183 : memref<200x32xf32, #tpu.memory_space<vmem>>) target(%dma_start3A_179 : memref<200x32xf32, #tpu.memory_space<hbm>>) target_semaphore(%dma_start3A_175 : memref<!tpu.dma_semaphore, #tpu.memory_space<semaphore_mem>>)
    %add3A_184 = arith.constant 120 : i32
    %add3A_185 = arith.addi %mul3A_4, %add3A_184 : i32
    %add3A_186 = arith.constant 6 : i32
    %add3A_187 = arith.addi %add3A_185, %add3A_186 : i32
    %dma_start3A_188 = arith.constant 1 : i32
    %dma_start3A_189 = arith.constant 1 : i32
    %dma_start3A_190 = arith.constant 1200 : i32
    %dma_start3A_191 = arith.constant 0 : i32
    %dma_start3A_192 = tpu.memref_slice %arg6[%dma_start3A_188, %dma_start3A_190, %dma_start3A_191] : memref<2x1600x32xf32, #tpu.memory_space<vmem>> -> memref<1x200x32xf32, #tpu.memory_space<vmem>>
    %dma_start3A_193 = tpu.memref_squeeze %dma_start3A_192 : memref<1x200x32xf32, #tpu.memory_space<vmem>> -> memref<200x32xf32, #tpu.memory_space<vmem>>
    %dma_start3A_194 = arith.constant 0 : i32
    %dma_start3A_195 = arith.constant 0 : i32
    %dma_start3A_196 = tpu.memref_slice %arg4[%add3A_187, %dma_start3A_194, %dma_start3A_195] : memref<4096x200x32xf32, #tpu.memory_space<hbm>> -> memref<1x200x32xf32, #tpu.memory_space<hbm>>
    %dma_start3A_197 = tpu.memref_squeeze %dma_start3A_196 : memref<1x200x32xf32, #tpu.memory_space<hbm>> -> memref<200x32xf32, #tpu.memory_space<hbm>>
    %dma_start3A_198 = tpu.memref_slice %arg8[%dma_start3A_189] : memref<2x!tpu.dma_semaphore, #tpu.memory_space<semaphore_mem>> -> memref<1x!tpu.dma_semaphore, #tpu.memory_space<semaphore_mem>>
    %dma_start3A_199 = tpu.memref_squeeze %dma_start3A_198 : memref<1x!tpu.dma_semaphore, #tpu.memory_space<semaphore_mem>> -> memref<!tpu.dma_semaphore, #tpu.memory_space<semaphore_mem>>
    %dma_start3A_200 = arith.constant 0 : i32
    %dma_start3A_201 = arith.constant 0 : i32
    %dma_start3A_202 = tpu.memref_slice %arg4[%add3A_187, %dma_start3A_200, %dma_start3A_201] : memref<4096x200x32xf32, #tpu.memory_space<hbm>> -> memref<1x200x32xf32, #tpu.memory_space<hbm>>
    %dma_start3A_203 = tpu.memref_squeeze %dma_start3A_202 : memref<1x200x32xf32, #tpu.memory_space<hbm>> -> memref<200x32xf32, #tpu.memory_space<hbm>>
    %dma_start3A_204 = arith.constant 1200 : i32
    %dma_start3A_205 = arith.constant 0 : i32
    %dma_start3A_206 = tpu.memref_slice %arg6[%dma_start3A_188, %dma_start3A_204, %dma_start3A_205] : memref<2x1600x32xf32, #tpu.memory_space<vmem>> -> memref<1x200x32xf32, #tpu.memory_space<vmem>>
    %dma_start3A_207 = tpu.memref_squeeze %dma_start3A_206 : memref<1x200x32xf32, #tpu.memory_space<vmem>> -> memref<200x32xf32, #tpu.memory_space<vmem>>
    tpu.enqueue_dma source(%dma_start3A_207 : memref<200x32xf32, #tpu.memory_space<vmem>>) target(%dma_start3A_203 : memref<200x32xf32, #tpu.memory_space<hbm>>) target_semaphore(%dma_start3A_199 : memref<!tpu.dma_semaphore, #tpu.memory_space<semaphore_mem>>)
    %add3A_208 = arith.constant 120 : i32
    %add3A_209 = arith.addi %mul3A_4, %add3A_208 : i32
    %add3A_210 = arith.constant 7 : i32
    %add3A_211 = arith.addi %add3A_209, %add3A_210 : i32
    %dma_start3A_212 = arith.constant 1 : i32
    %dma_start3A_213 = arith.constant 1 : i32
    %dma_start3A_214 = arith.constant 1400 : i32
    %dma_start3A_215 = arith.constant 0 : i32
    %dma_start3A_216 = tpu.memref_slice %arg6[%dma_start3A_212, %dma_start3A_214, %dma_start3A_215] : memref<2x1600x32xf32, #tpu.memory_space<vmem>> -> memref<1x200x32xf32, #tpu.memory_space<vmem>>
    %dma_start3A_217 = tpu.memref_squeeze %dma_start3A_216 : memref<1x200x32xf32, #tpu.memory_space<vmem>> -> memref<200x32xf32, #tpu.memory_space<vmem>>
    %dma_start3A_218 = arith.constant 0 : i32
    %dma_start3A_219 = arith.constant 0 : i32
    %dma_start3A_220 = tpu.memref_slice %arg4[%add3A_211, %dma_start3A_218, %dma_start3A_219] : memref<4096x200x32xf32, #tpu.memory_space<hbm>> -> memref<1x200x32xf32, #tpu.memory_space<hbm>>
    %dma_start3A_221 = tpu.memref_squeeze %dma_start3A_220 : memref<1x200x32xf32, #tpu.memory_space<hbm>> -> memref<200x32xf32, #tpu.memory_space<hbm>>
    %dma_start3A_222 = tpu.memref_slice %arg8[%dma_start3A_213] : memref<2x!tpu.dma_semaphore, #tpu.memory_space<semaphore_mem>> -> memref<1x!tpu.dma_semaphore, #tpu.memory_space<semaphore_mem>>
    %dma_start3A_223 = tpu.memref_squeeze %dma_start3A_222 : memref<1x!tpu.dma_semaphore, #tpu.memory_space<semaphore_mem>> -> memref<!tpu.dma_semaphore, #tpu.memory_space<semaphore_mem>>
    %dma_start3A_224 = arith.constant 0 : i32
    %dma_start3A_225 = arith.constant 0 : i32
    %dma_start3A_226 = tpu.memref_slice %arg4[%add3A_211, %dma_start3A_224, %dma_start3A_225] : memref<4096x200x32xf32, #tpu.memory_space<hbm>> -> memref<1x200x32xf32, #tpu.memory_space<hbm>>
    %dma_start3A_227 = tpu.memref_squeeze %dma_start3A_226 : memref<1x200x32xf32, #tpu.memory_space<hbm>> -> memref<200x32xf32, #tpu.memory_space<hbm>>
    %dma_start3A_228 = arith.constant 1400 : i32
    %dma_start3A_229 = arith.constant 0 : i32
    %dma_start3A_230 = tpu.memref_slice %arg6[%dma_start3A_212, %dma_start3A_228, %dma_start3A_229] : memref<2x1600x32xf32, #tpu.memory_space<vmem>> -> memref<1x200x32xf32, #tpu.memory_space<vmem>>
    %dma_start3A_231 = tpu.memref_squeeze %dma_start3A_230 : memref<1x200x32xf32, #tpu.memory_space<vmem>> -> memref<200x32xf32, #tpu.memory_space<vmem>>
    tpu.enqueue_dma source(%dma_start3A_231 : memref<200x32xf32, #tpu.memory_space<vmem>>) target(%dma_start3A_227 : memref<200x32xf32, #tpu.memory_space<hbm>>) target_semaphore(%dma_start3A_223 : memref<!tpu.dma_semaphore, #tpu.memory_space<semaphore_mem>>)
    %add3A_232 = arith.constant 112 : i32
    %add3A_233 = arith.addi %mul3A_4, %add3A_232 : i32
    %add3A_234 = arith.constant 0 : i32
    %add3A_235 = arith.addi %add3A_233, %add3A_234 : i32
    %dma_wait3A_236 = arith.constant 0 : i32
    %dma_wait3A_237 = arith.constant 0 : i32
    %dma_wait3A_238 = arith.constant 0 : i32
    %dma_wait3A_239 = arith.constant 0 : i32
    %dma_wait3A_240 = tpu.memref_slice %arg6[%dma_wait3A_236, %dma_wait3A_238, %dma_wait3A_239] : memref<2x1600x32xf32, #tpu.memory_space<vmem>> -> memref<1x200x32xf32, #tpu.memory_space<vmem>>
    %dma_wait3A_241 = tpu.memref_squeeze %dma_wait3A_240 : memref<1x200x32xf32, #tpu.memory_space<vmem>> -> memref<200x32xf32, #tpu.memory_space<vmem>>
    %dma_wait3A_242 = arith.constant 0 : i32
    %dma_wait3A_243 = arith.constant 0 : i32
    %dma_wait3A_244 = tpu.memref_slice %arg4[%add3A_235, %dma_wait3A_242, %dma_wait3A_243] : memref<4096x200x32xf32, #tpu.memory_space<hbm>> -> memref<1x200x32xf32, #tpu.memory_space<hbm>>
    %dma_wait3A_245 = tpu.memref_squeeze %dma_wait3A_244 : memref<1x200x32xf32, #tpu.memory_space<hbm>> -> memref<200x32xf32, #tpu.memory_space<hbm>>
    %dma_wait3A_246 = tpu.memref_slice %arg8[%dma_wait3A_237] : memref<2x!tpu.dma_semaphore, #tpu.memory_space<semaphore_mem>> -> memref<1x!tpu.dma_semaphore, #tpu.memory_space<semaphore_mem>>
    %dma_wait3A_247 = tpu.memref_squeeze %dma_wait3A_246 : memref<1x!tpu.dma_semaphore, #tpu.memory_space<semaphore_mem>> -> memref<!tpu.dma_semaphore, #tpu.memory_space<semaphore_mem>>
    %dma_wait3A_248 = arith.constant 0 : i32
    %dma_wait3A_249 = arith.constant 0 : i32
    %dma_wait3A_250 = tpu.memref_slice %arg4[%add3A_235, %dma_wait3A_248, %dma_wait3A_249] : memref<4096x200x32xf32, #tpu.memory_space<hbm>> -> memref<1x200x32xf32, #tpu.memory_space<hbm>>
    %dma_wait3A_251 = tpu.memref_squeeze %dma_wait3A_250 : memref<1x200x32xf32, #tpu.memory_space<hbm>> -> memref<200x32xf32, #tpu.memory_space<hbm>>
    %dma_wait3A_252 = arith.constant 0 : i32
    %dma_wait3A_253 = arith.constant 0 : i32
    %dma_wait3A_254 = tpu.memref_slice %arg6[%dma_wait3A_236, %dma_wait3A_252, %dma_wait3A_253] : memref<2x1600x32xf32, #tpu.memory_space<vmem>> -> memref<1x200x32xf32, #tpu.memory_space<vmem>>
    %dma_wait3A_255 = tpu.memref_squeeze %dma_wait3A_254 : memref<1x200x32xf32, #tpu.memory_space<vmem>> -> memref<200x32xf32, #tpu.memory_space<vmem>>
    tpu.wait_dma2 semaphore(%dma_wait3A_247 : memref<!tpu.dma_semaphore, #tpu.memory_space<semaphore_mem>>) src(%dma_wait3A_255 : memref<200x32xf32, #tpu.memory_space<vmem>>) dst(%dma_wait3A_251 : memref<200x32xf32, #tpu.memory_space<hbm>>)
    %add3A_256 = arith.constant 112 : i32
    %add3A_257 = arith.addi %mul3A_4, %add3A_256 : i32
    %add3A_258 = arith.constant 1 : i32
    %add3A_259 = arith.addi %add3A_257, %add3A_258 : i32
    %dma_wait3A_260 = arith.constant 0 : i32
    %dma_wait3A_261 = arith.constant 0 : i32
    %dma_wait3A_262 = arith.constant 200 : i32
    %dma_wait3A_263 = arith.constant 0 : i32
    %dma_wait3A_264 = tpu.memref_slice %arg6[%dma_wait3A_260, %dma_wait3A_262, %dma_wait3A_263] : memref<2x1600x32xf32, #tpu.memory_space<vmem>> -> memref<1x200x32xf32, #tpu.memory_space<vmem>>
    %dma_wait3A_265 = tpu.memref_squeeze %dma_wait3A_264 : memref<1x200x32xf32, #tpu.memory_space<vmem>> -> memref<200x32xf32, #tpu.memory_space<vmem>>
    %dma_wait3A_266 = arith.constant 0 : i32
    %dma_wait3A_267 = arith.constant 0 : i32
    %dma_wait3A_268 = tpu.memref_slice %arg4[%add3A_259, %dma_wait3A_266, %dma_wait3A_267] : memref<4096x200x32xf32, #tpu.memory_space<hbm>> -> memref<1x200x32xf32, #tpu.memory_space<hbm>>
    %dma_wait3A_269 = tpu.memref_squeeze %dma_wait3A_268 : memref<1x200x32xf32, #tpu.memory_space<hbm>> -> memref<200x32xf32, #tpu.memory_space<hbm>>
    %dma_wait3A_270 = tpu.memref_slice %arg8[%dma_wait3A_261] : memref<2x!tpu.dma_semaphore, #tpu.memory_space<semaphore_mem>> -> memref<1x!tpu.dma_semaphore, #tpu.memory_space<semaphore_mem>>
    %dma_wait3A_271 = tpu.memref_squeeze %dma_wait3A_270 : memref<1x!tpu.dma_semaphore, #tpu.memory_space<semaphore_mem>> -> memref<!tpu.dma_semaphore, #tpu.memory_space<semaphore_mem>>
    %dma_wait3A_272 = arith.constant 0 : i32
    %dma_wait3A_273 = arith.constant 0 : i32
    %dma_wait3A_274 = tpu.memref_slice %arg4[%add3A_259, %dma_wait3A_272, %dma_wait3A_273] : memref<4096x200x32xf32, #tpu.memory_space<hbm>> -> memref<1x200x32xf32, #tpu.memory_space<hbm>>
    %dma_wait3A_275 = tpu.memref_squeeze %dma_wait3A_274 : memref<1x200x32xf32, #tpu.memory_space<hbm>> -> memref<200x32xf32, #tpu.memory_space<hbm>>
    %dma_wait3A_276 = arith.constant 200 : i32
    %dma_wait3A_277 = arith.constant 0 : i32
    %dma_wait3A_278 = tpu.memref_slice %arg6[%dma_wait3A_260, %dma_wait3A_276, %dma_wait3A_277] : memref<2x1600x32xf32, #tpu.memory_space<vmem>> -> memref<1x200x32xf32, #tpu.memory_space<vmem>>
    %dma_wait3A_279 = tpu.memref_squeeze %dma_wait3A_278 : memref<1x200x32xf32, #tpu.memory_space<vmem>> -> memref<200x32xf32, #tpu.memory_space<vmem>>
    tpu.wait_dma2 semaphore(%dma_wait3A_271 : memref<!tpu.dma_semaphore, #tpu.memory_space<semaphore_mem>>) src(%dma_wait3A_279 : memref<200x32xf32, #tpu.memory_space<vmem>>) dst(%dma_wait3A_275 : memref<200x32xf32, #tpu.memory_space<hbm>>)
    %add3A_280 = arith.constant 112 : i32
    %add3A_281 = arith.addi %mul3A_4, %add3A_280 : i32
    %add3A_282 = arith.constant 2 : i32
    %add3A_283 = arith.addi %add3A_281, %add3A_282 : i32
    %dma_wait3A_284 = arith.constant 0 : i32
    %dma_wait3A_285 = arith.constant 0 : i32
    %dma_wait3A_286 = arith.constant 400 : i32
    %dma_wait3A_287 = arith.constant 0 : i32
    %dma_wait3A_288 = tpu.memref_slice %arg6[%dma_wait3A_284, %dma_wait3A_286, %dma_wait3A_287] : memref<2x1600x32xf32, #tpu.memory_space<vmem>> -> memref<1x200x32xf32, #tpu.memory_space<vmem>>
    %dma_wait3A_289 = tpu.memref_squeeze %dma_wait3A_288 : memref<1x200x32xf32, #tpu.memory_space<vmem>> -> memref<200x32xf32, #tpu.memory_space<vmem>>
    %dma_wait3A_290 = arith.constant 0 : i32
    %dma_wait3A_291 = arith.constant 0 : i32
    %dma_wait3A_292 = tpu.memref_slice %arg4[%add3A_283, %dma_wait3A_290, %dma_wait3A_291] : memref<4096x200x32xf32, #tpu.memory_space<hbm>> -> memref<1x200x32xf32, #tpu.memory_space<hbm>>
    %dma_wait3A_293 = tpu.memref_squeeze %dma_wait3A_292 : memref<1x200x32xf32, #tpu.memory_space<hbm>> -> memref<200x32xf32, #tpu.memory_space<hbm>>
    %dma_wait3A_294 = tpu.memref_slice %arg8[%dma_wait3A_285] : memref<2x!tpu.dma_semaphore, #tpu.memory_space<semaphore_mem>> -> memref<1x!tpu.dma_semaphore, #tpu.memory_space<semaphore_mem>>
    %dma_wait3A_295 = tpu.memref_squeeze %dma_wait3A_294 : memref<1x!tpu.dma_semaphore, #tpu.memory_space<semaphore_mem>> -> memref<!tpu.dma_semaphore, #tpu.memory_space<semaphore_mem>>
    %dma_wait3A_296 = arith.constant 0 : i32
    %dma_wait3A_297 = arith.constant 0 : i32
    %dma_wait3A_298 = tpu.memref_slice %arg4[%add3A_283, %dma_wait3A_296, %dma_wait3A_297] : memref<4096x200x32xf32, #tpu.memory_space<hbm>> -> memref<1x200x32xf32, #tpu.memory_space<hbm>>
    %dma_wait3A_299 = tpu.memref_squeeze %dma_wait3A_298 : memref<1x200x32xf32, #tpu.memory_space<hbm>> -> memref<200x32xf32, #tpu.memory_space<hbm>>
    %dma_wait3A_300 = arith.constant 400 : i32
    %dma_wait3A_301 = arith.constant 0 : i32
    %dma_wait3A_302 = tpu.memref_slice %arg6[%dma_wait3A_284, %dma_wait3A_300, %dma_wait3A_301] : memref<2x1600x32xf32, #tpu.memory_space<vmem>> -> memref<1x200x32xf32, #tpu.memory_space<vmem>>
    %dma_wait3A_303 = tpu.memref_squeeze %dma_wait3A_302 : memref<1x200x32xf32, #tpu.memory_space<vmem>> -> memref<200x32xf32, #tpu.memory_space<vmem>>
    tpu.wait_dma2 semaphore(%dma_wait3A_295 : memref<!tpu.dma_semaphore, #tpu.memory_space<semaphore_mem>>) src(%dma_wait3A_303 : memref<200x32xf32, #tpu.memory_space<vmem>>) dst(%dma_wait3A_299 : memref<200x32xf32, #tpu.memory_space<hbm>>)
    %add3A_304 = arith.constant 112 : i32
    %add3A_305 = arith.addi %mul3A_4, %add3A_304 : i32
    %add3A_306 = arith.constant 3 : i32
    %add3A_307 = arith.addi %add3A_305, %add3A_306 : i32
    %dma_wait3A_308 = arith.constant 0 : i32
    %dma_wait3A_309 = arith.constant 0 : i32
    %dma_wait3A_310 = arith.constant 600 : i32
    %dma_wait3A_311 = arith.constant 0 : i32
    %dma_wait3A_312 = tpu.memref_slice %arg6[%dma_wait3A_308, %dma_wait3A_310, %dma_wait3A_311] : memref<2x1600x32xf32, #tpu.memory_space<vmem>> -> memref<1x200x32xf32, #tpu.memory_space<vmem>>
    %dma_wait3A_313 = tpu.memref_squeeze %dma_wait3A_312 : memref<1x200x32xf32, #tpu.memory_space<vmem>> -> memref<200x32xf32, #tpu.memory_space<vmem>>
    %dma_wait3A_314 = arith.constant 0 : i32
    %dma_wait3A_315 = arith.constant 0 : i32
    %dma_wait3A_316 = tpu.memref_slice %arg4[%add3A_307, %dma_wait3A_314, %dma_wait3A_315] : memref<4096x200x32xf32, #tpu.memory_space<hbm>> -> memref<1x200x32xf32, #tpu.memory_space<hbm>>
    %dma_wait3A_317 = tpu.memref_squeeze %dma_wait3A_316 : memref<1x200x32xf32, #tpu.memory_space<hbm>> -> memref<200x32xf32, #tpu.memory_space<hbm>>
    %dma_wait3A_318 = tpu.memref_slice %arg8[%dma_wait3A_309] : memref<2x!tpu.dma_semaphore, #tpu.memory_space<semaphore_mem>> -> memref<1x!tpu.dma_semaphore, #tpu.memory_space<semaphore_mem>>
    %dma_wait3A_319 = tpu.memref_squeeze %dma_wait3A_318 : memref<1x!tpu.dma_semaphore, #tpu.memory_space<semaphore_mem>> -> memref<!tpu.dma_semaphore, #tpu.memory_space<semaphore_mem>>
    %dma_wait3A_320 = arith.constant 0 : i32
    %dma_wait3A_321 = arith.constant 0 : i32
    %dma_wait3A_322 = tpu.memref_slice %arg4[%add3A_307, %dma_wait3A_320, %dma_wait3A_321] : memref<4096x200x32xf32, #tpu.memory_space<hbm>> -> memref<1x200x32xf32, #tpu.memory_space<hbm>>
    %dma_wait3A_323 = tpu.memref_squeeze %dma_wait3A_322 : memref<1x200x32xf32, #tpu.memory_space<hbm>> -> memref<200x32xf32, #tpu.memory_space<hbm>>
    %dma_wait3A_324 = arith.constant 600 : i32
    %dma_wait3A_325 = arith.constant 0 : i32
    %dma_wait3A_326 = tpu.memref_slice %arg6[%dma_wait3A_308, %dma_wait3A_324, %dma_wait3A_325] : memref<2x1600x32xf32, #tpu.memory_space<vmem>> -> memref<1x200x32xf32, #tpu.memory_space<vmem>>
    %dma_wait3A_327 = tpu.memref_squeeze %dma_wait3A_326 : memref<1x200x32xf32, #tpu.memory_space<vmem>> -> memref<200x32xf32, #tpu.memory_space<vmem>>
    tpu.wait_dma2 semaphore(%dma_wait3A_319 : memref<!tpu.dma_semaphore, #tpu.memory_space<semaphore_mem>>) src(%dma_wait3A_327 : memref<200x32xf32, #tpu.memory_space<vmem>>) dst(%dma_wait3A_323 : memref<200x32xf32, #tpu.memory_space<hbm>>)
    %add3A_328 = arith.constant 112 : i32
    %add3A_329 = arith.addi %mul3A_4, %add3A_328 : i32
    %add3A_330 = arith.constant 4 : i32
    %add3A_331 = arith.addi %add3A_329, %add3A_330 : i32
    %dma_wait3A_332 = arith.constant 0 : i32
    %dma_wait3A_333 = arith.constant 0 : i32
    %dma_wait3A_334 = arith.constant 800 : i32
    %dma_wait3A_335 = arith.constant 0 : i32
    %dma_wait3A_336 = tpu.memref_slice %arg6[%dma_wait3A_332, %dma_wait3A_334, %dma_wait3A_335] : memref<2x1600x32xf32, #tpu.memory_space<vmem>> -> memref<1x200x32xf32, #tpu.memory_space<vmem>>
    %dma_wait3A_337 = tpu.memref_squeeze %dma_wait3A_336 : memref<1x200x32xf32, #tpu.memory_space<vmem>> -> memref<200x32xf32, #tpu.memory_space<vmem>>
    %dma_wait3A_338 = arith.constant 0 : i32
    %dma_wait3A_339 = arith.constant 0 : i32
    %dma_wait3A_340 = tpu.memref_slice %arg4[%add3A_331, %dma_wait3A_338, %dma_wait3A_339] : memref<4096x200x32xf32, #tpu.memory_space<hbm>> -> memref<1x200x32xf32, #tpu.memory_space<hbm>>
    %dma_wait3A_341 = tpu.memref_squeeze %dma_wait3A_340 : memref<1x200x32xf32, #tpu.memory_space<hbm>> -> memref<200x32xf32, #tpu.memory_space<hbm>>
    %dma_wait3A_342 = tpu.memref_slice %arg8[%dma_wait3A_333] : memref<2x!tpu.dma_semaphore, #tpu.memory_space<semaphore_mem>> -> memref<1x!tpu.dma_semaphore, #tpu.memory_space<semaphore_mem>>
    %dma_wait3A_343 = tpu.memref_squeeze %dma_wait3A_342 : memref<1x!tpu.dma_semaphore, #tpu.memory_space<semaphore_mem>> -> memref<!tpu.dma_semaphore, #tpu.memory_space<semaphore_mem>>
    %dma_wait3A_344 = arith.constant 0 : i32
    %dma_wait3A_345 = arith.constant 0 : i32
    %dma_wait3A_346 = tpu.memref_slice %arg4[%add3A_331, %dma_wait3A_344, %dma_wait3A_345] : memref<4096x200x32xf32, #tpu.memory_space<hbm>> -> memref<1x200x32xf32, #tpu.memory_space<hbm>>
    %dma_wait3A_347 = tpu.memref_squeeze %dma_wait3A_346 : memref<1x200x32xf32, #tpu.memory_space<hbm>> -> memref<200x32xf32, #tpu.memory_space<hbm>>
    %dma_wait3A_348 = arith.constant 800 : i32
    %dma_wait3A_349 = arith.constant 0 : i32
    %dma_wait3A_350 = tpu.memref_slice %arg6[%dma_wait3A_332, %dma_wait3A_348, %dma_wait3A_349] : memref<2x1600x32xf32, #tpu.memory_space<vmem>> -> memref<1x200x32xf32, #tpu.memory_space<vmem>>
    %dma_wait3A_351 = tpu.memref_squeeze %dma_wait3A_350 : memref<1x200x32xf32, #tpu.memory_space<vmem>> -> memref<200x32xf32, #tpu.memory_space<vmem>>
    tpu.wait_dma2 semaphore(%dma_wait3A_343 : memref<!tpu.dma_semaphore, #tpu.memory_space<semaphore_mem>>) src(%dma_wait3A_351 : memref<200x32xf32, #tpu.memory_space<vmem>>) dst(%dma_wait3A_347 : memref<200x32xf32, #tpu.memory_space<hbm>>)
    %add3A_352 = arith.constant 112 : i32
    %add3A_353 = arith.addi %mul3A_4, %add3A_352 : i32
    %add3A_354 = arith.constant 5 : i32
    %add3A_355 = arith.addi %add3A_353, %add3A_354 : i32
    %dma_wait3A_356 = arith.constant 0 : i32
    %dma_wait3A_357 = arith.constant 0 : i32
    %dma_wait3A_358 = arith.constant 1000 : i32
    %dma_wait3A_359 = arith.constant 0 : i32
    %dma_wait3A_360 = tpu.memref_slice %arg6[%dma_wait3A_356, %dma_wait3A_358, %dma_wait3A_359] : memref<2x1600x32xf32, #tpu.memory_space<vmem>> -> memref<1x200x32xf32, #tpu.memory_space<vmem>>
    %dma_wait3A_361 = tpu.memref_squeeze %dma_wait3A_360 : memref<1x200x32xf32, #tpu.memory_space<vmem>> -> memref<200x32xf32, #tpu.memory_space<vmem>>
    %dma_wait3A_362 = arith.constant 0 : i32
    %dma_wait3A_363 = arith.constant 0 : i32
    %dma_wait3A_364 = tpu.memref_slice %arg4[%add3A_355, %dma_wait3A_362, %dma_wait3A_363] : memref<4096x200x32xf32, #tpu.memory_space<hbm>> -> memref<1x200x32xf32, #tpu.memory_space<hbm>>
    %dma_wait3A_365 = tpu.memref_squeeze %dma_wait3A_364 : memref<1x200x32xf32, #tpu.memory_space<hbm>> -> memref<200x32xf32, #tpu.memory_space<hbm>>
    %dma_wait3A_366 = tpu.memref_slice %arg8[%dma_wait3A_357] : memref<2x!tpu.dma_semaphore, #tpu.memory_space<semaphore_mem>> -> memref<1x!tpu.dma_semaphore, #tpu.memory_space<semaphore_mem>>
    %dma_wait3A_367 = tpu.memref_squeeze %dma_wait3A_366 : memref<1x!tpu.dma_semaphore, #tpu.memory_space<semaphore_mem>> -> memref<!tpu.dma_semaphore, #tpu.memory_space<semaphore_mem>>
    %dma_wait3A_368 = arith.constant 0 : i32
    %dma_wait3A_369 = arith.constant 0 : i32
    %dma_wait3A_370 = tpu.memref_slice %arg4[%add3A_355, %dma_wait3A_368, %dma_wait3A_369] : memref<4096x200x32xf32, #tpu.memory_space<hbm>> -> memref<1x200x32xf32, #tpu.memory_space<hbm>>
    %dma_wait3A_371 = tpu.memref_squeeze %dma_wait3A_370 : memref<1x200x32xf32, #tpu.memory_space<hbm>> -> memref<200x32xf32, #tpu.memory_space<hbm>>
    %dma_wait3A_372 = arith.constant 1000 : i32
    %dma_wait3A_373 = arith.constant 0 : i32
    %dma_wait3A_374 = tpu.memref_slice %arg6[%dma_wait3A_356, %dma_wait3A_372, %dma_wait3A_373] : memref<2x1600x32xf32, #tpu.memory_space<vmem>> -> memref<1x200x32xf32, #tpu.memory_space<vmem>>
    %dma_wait3A_375 = tpu.memref_squeeze %dma_wait3A_374 : memref<1x200x32xf32, #tpu.memory_space<vmem>> -> memref<200x32xf32, #tpu.memory_space<vmem>>
    tpu.wait_dma2 semaphore(%dma_wait3A_367 : memref<!tpu.dma_semaphore, #tpu.memory_space<semaphore_mem>>) src(%dma_wait3A_375 : memref<200x32xf32, #tpu.memory_space<vmem>>) dst(%dma_wait3A_371 : memref<200x32xf32, #tpu.memory_space<hbm>>)
    %add3A_376 = arith.constant 112 : i32
    %add3A_377 = arith.addi %mul3A_4, %add3A_376 : i32
    %add3A_378 = arith.constant 6 : i32
    %add3A_379 = arith.addi %add3A_377, %add3A_378 : i32
    %dma_wait3A_380 = arith.constant 0 : i32
    %dma_wait3A_381 = arith.constant 0 : i32
    %dma_wait3A_382 = arith.constant 1200 : i32
    %dma_wait3A_383 = arith.constant 0 : i32
    %dma_wait3A_384 = tpu.memref_slice %arg6[%dma_wait3A_380, %dma_wait3A_382, %dma_wait3A_383] : memref<2x1600x32xf32, #tpu.memory_space<vmem>> -> memref<1x200x32xf32, #tpu.memory_space<vmem>>
    %dma_wait3A_385 = tpu.memref_squeeze %dma_wait3A_384 : memref<1x200x32xf32, #tpu.memory_space<vmem>> -> memref<200x32xf32, #tpu.memory_space<vmem>>
    %dma_wait3A_386 = arith.constant 0 : i32
    %dma_wait3A_387 = arith.constant 0 : i32
    %dma_wait3A_388 = tpu.memref_slice %arg4[%add3A_379, %dma_wait3A_386, %dma_wait3A_387] : memref<4096x200x32xf32, #tpu.memory_space<hbm>> -> memref<1x200x32xf32, #tpu.memory_space<hbm>>
    %dma_wait3A_389 = tpu.memref_squeeze %dma_wait3A_388 : memref<1x200x32xf32, #tpu.memory_space<hbm>> -> memref<200x32xf32, #tpu.memory_space<hbm>>
    %dma_wait3A_390 = tpu.memref_slice %arg8[%dma_wait3A_381] : memref<2x!tpu.dma_semaphore, #tpu.memory_space<semaphore_mem>> -> memref<1x!tpu.dma_semaphore, #tpu.memory_space<semaphore_mem>>
    %dma_wait3A_391 = tpu.memref_squeeze %dma_wait3A_390 : memref<1x!tpu.dma_semaphore, #tpu.memory_space<semaphore_mem>> -> memref<!tpu.dma_semaphore, #tpu.memory_space<semaphore_mem>>
    %dma_wait3A_392 = arith.constant 0 : i32
    %dma_wait3A_393 = arith.constant 0 : i32
    %dma_wait3A_394 = tpu.memref_slice %arg4[%add3A_379, %dma_wait3A_392, %dma_wait3A_393] : memref<4096x200x32xf32, #tpu.memory_space<hbm>> -> memref<1x200x32xf32, #tpu.memory_space<hbm>>
    %dma_wait3A_395 = tpu.memref_squeeze %dma_wait3A_394 : memref<1x200x32xf32, #tpu.memory_space<hbm>> -> memref<200x32xf32, #tpu.memory_space<hbm>>
    %dma_wait3A_396 = arith.constant 1200 : i32
    %dma_wait3A_397 = arith.constant 0 : i32
    %dma_wait3A_398 = tpu.memref_slice %arg6[%dma_wait3A_380, %dma_wait3A_396, %dma_wait3A_397] : memref<2x1600x32xf32, #tpu.memory_space<vmem>> -> memref<1x200x32xf32, #tpu.memory_space<vmem>>
    %dma_wait3A_399 = tpu.memref_squeeze %dma_wait3A_398 : memref<1x200x32xf32, #tpu.memory_space<vmem>> -> memref<200x32xf32, #tpu.memory_space<vmem>>
    tpu.wait_dma2 semaphore(%dma_wait3A_391 : memref<!tpu.dma_semaphore, #tpu.memory_space<semaphore_mem>>) src(%dma_wait3A_399 : memref<200x32xf32, #tpu.memory_space<vmem>>) dst(%dma_wait3A_395 : memref<200x32xf32, #tpu.memory_space<hbm>>)
    %add3A_400 = arith.constant 112 : i32
    %add3A_401 = arith.addi %mul3A_4, %add3A_400 : i32
    %add3A_402 = arith.constant 7 : i32
    %add3A_403 = arith.addi %add3A_401, %add3A_402 : i32
    %dma_wait3A_404 = arith.constant 0 : i32
    %dma_wait3A_405 = arith.constant 0 : i32
    %dma_wait3A_406 = arith.constant 1400 : i32
    %dma_wait3A_407 = arith.constant 0 : i32
    %dma_wait3A_408 = tpu.memref_slice %arg6[%dma_wait3A_404, %dma_wait3A_406, %dma_wait3A_407] : memref<2x1600x32xf32, #tpu.memory_space<vmem>> -> memref<1x200x32xf32, #tpu.memory_space<vmem>>
    %dma_wait3A_409 = tpu.memref_squeeze %dma_wait3A_408 : memref<1x200x32xf32, #tpu.memory_space<vmem>> -> memref<200x32xf32, #tpu.memory_space<vmem>>
    %dma_wait3A_410 = arith.constant 0 : i32
    %dma_wait3A_411 = arith.constant 0 : i32
    %dma_wait3A_412 = tpu.memref_slice %arg4[%add3A_403, %dma_wait3A_410, %dma_wait3A_411] : memref<4096x200x32xf32, #tpu.memory_space<hbm>> -> memref<1x200x32xf32, #tpu.memory_space<hbm>>
    %dma_wait3A_413 = tpu.memref_squeeze %dma_wait3A_412 : memref<1x200x32xf32, #tpu.memory_space<hbm>> -> memref<200x32xf32, #tpu.memory_space<hbm>>
    %dma_wait3A_414 = tpu.memref_slice %arg8[%dma_wait3A_405] : memref<2x!tpu.dma_semaphore, #tpu.memory_space<semaphore_mem>> -> memref<1x!tpu.dma_semaphore, #tpu.memory_space<semaphore_mem>>
    %dma_wait3A_415 = tpu.memref_squeeze %dma_wait3A_414 : memref<1x!tpu.dma_semaphore, #tpu.memory_space<semaphore_mem>> -> memref<!tpu.dma_semaphore, #tpu.memory_space<semaphore_mem>>
    %dma_wait3A_416 = arith.constant 0 : i32
    %dma_wait3A_417 = arith.constant 0 : i32
    %dma_wait3A_418 = tpu.memref_slice %arg4[%add3A_403, %dma_wait3A_416, %dma_wait3A_417] : memref<4096x200x32xf32, #tpu.memory_space<hbm>> -> memref<1x200x32xf32, #tpu.memory_space<hbm>>
    %dma_wait3A_419 = tpu.memref_squeeze %dma_wait3A_418 : memref<1x200x32xf32, #tpu.memory_space<hbm>> -> memref<200x32xf32, #tpu.memory_space<hbm>>
    %dma_wait3A_420 = arith.constant 1400 : i32
    %dma_wait3A_421 = arith.constant 0 : i32
    %dma_wait3A_422 = tpu.memref_slice %arg6[%dma_wait3A_404, %dma_wait3A_420, %dma_wait3A_421] : memref<2x1600x32xf32, #tpu.memory_space<vmem>> -> memref<1x200x32xf32, #tpu.memory_space<vmem>>
    %dma_wait3A_423 = tpu.memref_squeeze %dma_wait3A_422 : memref<1x200x32xf32, #tpu.memory_space<vmem>> -> memref<200x32xf32, #tpu.memory_space<vmem>>
    tpu.wait_dma2 semaphore(%dma_wait3A_415 : memref<!tpu.dma_semaphore, #tpu.memory_space<semaphore_mem>>) src(%dma_wait3A_423 : memref<200x32xf32, #tpu.memory_space<vmem>>) dst(%dma_wait3A_419 : memref<200x32xf32, #tpu.memory_space<hbm>>)
    %add3A_424 = arith.constant 120 : i32
    %add3A_425 = arith.addi %mul3A_4, %add3A_424 : i32
    %add3A_426 = arith.constant 0 : i32
    %add3A_427 = arith.addi %add3A_425, %add3A_426 : i32
    %dma_wait3A_428 = arith.constant 1 : i32
    %dma_wait3A_429 = arith.constant 1 : i32
    %dma_wait3A_430 = arith.constant 0 : i32
    %dma_wait3A_431 = arith.constant 0 : i32
    %dma_wait3A_432 = tpu.memref_slice %arg6[%dma_wait3A_428, %dma_wait3A_430, %dma_wait3A_431] : memref<2x1600x32xf32, #tpu.memory_space<vmem>> -> memref<1x200x32xf32, #tpu.memory_space<vmem>>
    %dma_wait3A_433 = tpu.memref_squeeze %dma_wait3A_432 : memref<1x200x32xf32, #tpu.memory_space<vmem>> -> memref<200x32xf32, #tpu.memory_space<vmem>>
    %dma_wait3A_434 = arith.constant 0 : i32
    %dma_wait3A_435 = arith.constant 0 : i32
    %dma_wait3A_436 = tpu.memref_slice %arg4[%add3A_427, %dma_wait3A_434, %dma_wait3A_435] : memref<4096x200x32xf32, #tpu.memory_space<hbm>> -> memref<1x200x32xf32, #tpu.memory_space<hbm>>
    %dma_wait3A_437 = tpu.memref_squeeze %dma_wait3A_436 : memref<1x200x32xf32, #tpu.memory_space<hbm>> -> memref<200x32xf32, #tpu.memory_space<hbm>>
    %dma_wait3A_438 = tpu.memref_slice %arg8[%dma_wait3A_429] : memref<2x!tpu.dma_semaphore, #tpu.memory_space<semaphore_mem>> -> memref<1x!tpu.dma_semaphore, #tpu.memory_space<semaphore_mem>>
    %dma_wait3A_439 = tpu.memref_squeeze %dma_wait3A_438 : memref<1x!tpu.dma_semaphore, #tpu.memory_space<semaphore_mem>> -> memref<!tpu.dma_semaphore, #tpu.memory_space<semaphore_mem>>
    %dma_wait3A_440 = arith.constant 0 : i32
    %dma_wait3A_441 = arith.constant 0 : i32
    %dma_wait3A_442 = tpu.memref_slice %arg4[%add3A_427, %dma_wait3A_440, %dma_wait3A_441] : memref<4096x200x32xf32, #tpu.memory_space<hbm>> -> memref<1x200x32xf32, #tpu.memory_space<hbm>>
    %dma_wait3A_443 = tpu.memref_squeeze %dma_wait3A_442 : memref<1x200x32xf32, #tpu.memory_space<hbm>> -> memref<200x32xf32, #tpu.memory_space<hbm>>
    %dma_wait3A_444 = arith.constant 0 : i32
    %dma_wait3A_445 = arith.constant 0 : i32
    %dma_wait3A_446 = tpu.memref_slice %arg6[%dma_wait3A_428, %dma_wait3A_444, %dma_wait3A_445] : memref<2x1600x32xf32, #tpu.memory_space<vmem>> -> memref<1x200x32xf32, #tpu.memory_space<vmem>>
    %dma_wait3A_447 = tpu.memref_squeeze %dma_wait3A_446 : memref<1x200x32xf32, #tpu.memory_space<vmem>> -> memref<200x32xf32, #tpu.memory_space<vmem>>
    tpu.wait_dma2 semaphore(%dma_wait3A_439 : memref<!tpu.dma_semaphore, #tpu.memory_space<semaphore_mem>>) src(%dma_wait3A_447 : memref<200x32xf32, #tpu.memory_space<vmem>>) dst(%dma_wait3A_443 : memref<200x32xf32, #tpu.memory_space<hbm>>)
    %add3A_448 = arith.constant 120 : i32
    %add3A_449 = arith.addi %mul3A_4, %add3A_448 : i32
    %add3A_450 = arith.constant 1 : i32
    %add3A_451 = arith.addi %add3A_449, %add3A_450 : i32
    %dma_wait3A_452 = arith.constant 1 : i32
    %dma_wait3A_453 = arith.constant 1 : i32
    %dma_wait3A_454 = arith.constant 200 : i32
    %dma_wait3A_455 = arith.constant 0 : i32
    %dma_wait3A_456 = tpu.memref_slice %arg6[%dma_wait3A_452, %dma_wait3A_454, %dma_wait3A_455] : memref<2x1600x32xf32, #tpu.memory_space<vmem>> -> memref<1x200x32xf32, #tpu.memory_space<vmem>>
    %dma_wait3A_457 = tpu.memref_squeeze %dma_wait3A_456 : memref<1x200x32xf32, #tpu.memory_space<vmem>> -> memref<200x32xf32, #tpu.memory_space<vmem>>
    %dma_wait3A_458 = arith.constant 0 : i32
    %dma_wait3A_459 = arith.constant 0 : i32
    %dma_wait3A_460 = tpu.memref_slice %arg4[%add3A_451, %dma_wait3A_458, %dma_wait3A_459] : memref<4096x200x32xf32, #tpu.memory_space<hbm>> -> memref<1x200x32xf32, #tpu.memory_space<hbm>>
    %dma_wait3A_461 = tpu.memref_squeeze %dma_wait3A_460 : memref<1x200x32xf32, #tpu.memory_space<hbm>> -> memref<200x32xf32, #tpu.memory_space<hbm>>
    %dma_wait3A_462 = tpu.memref_slice %arg8[%dma_wait3A_453] : memref<2x!tpu.dma_semaphore, #tpu.memory_space<semaphore_mem>> -> memref<1x!tpu.dma_semaphore, #tpu.memory_space<semaphore_mem>>
    %dma_wait3A_463 = tpu.memref_squeeze %dma_wait3A_462 : memref<1x!tpu.dma_semaphore, #tpu.memory_space<semaphore_mem>> -> memref<!tpu.dma_semaphore, #tpu.memory_space<semaphore_mem>>
    %dma_wait3A_464 = arith.constant 0 : i32
    %dma_wait3A_465 = arith.constant 0 : i32
    %dma_wait3A_466 = tpu.memref_slice %arg4[%add3A_451, %dma_wait3A_464, %dma_wait3A_465] : memref<4096x200x32xf32, #tpu.memory_space<hbm>> -> memref<1x200x32xf32, #tpu.memory_space<hbm>>
    %dma_wait3A_467 = tpu.memref_squeeze %dma_wait3A_466 : memref<1x200x32xf32, #tpu.memory_space<hbm>> -> memref<200x32xf32, #tpu.memory_space<hbm>>
    %dma_wait3A_468 = arith.constant 200 : i32
    %dma_wait3A_469 = arith.constant 0 : i32
    %dma_wait3A_470 = tpu.memref_slice %arg6[%dma_wait3A_452, %dma_wait3A_468, %dma_wait3A_469] : memref<2x1600x32xf32, #tpu.memory_space<vmem>> -> memref<1x200x32xf32, #tpu.memory_space<vmem>>
    %dma_wait3A_471 = tpu.memref_squeeze %dma_wait3A_470 : memref<1x200x32xf32, #tpu.memory_space<vmem>> -> memref<200x32xf32, #tpu.memory_space<vmem>>
    tpu.wait_dma2 semaphore(%dma_wait3A_463 : memref<!tpu.dma_semaphore, #tpu.memory_space<semaphore_mem>>) src(%dma_wait3A_471 : memref<200x32xf32, #tpu.memory_space<vmem>>) dst(%dma_wait3A_467 : memref<200x32xf32, #tpu.memory_space<hbm>>)
    %add3A_472 = arith.constant 120 : i32
    %add3A_473 = arith.addi %mul3A_4, %add3A_472 : i32
    %add3A_474 = arith.constant 2 : i32
    %add3A_475 = arith.addi %add3A_473, %add3A_474 : i32
    %dma_wait3A_476 = arith.constant 1 : i32
    %dma_wait3A_477 = arith.constant 1 : i32
    %dma_wait3A_478 = arith.constant 400 : i32
    %dma_wait3A_479 = arith.constant 0 : i32
    %dma_wait3A_480 = tpu.memref_slice %arg6[%dma_wait3A_476, %dma_wait3A_478, %dma_wait3A_479] : memref<2x1600x32xf32, #tpu.memory_space<vmem>> -> memref<1x200x32xf32, #tpu.memory_space<vmem>>
    %dma_wait3A_481 = tpu.memref_squeeze %dma_wait3A_480 : memref<1x200x32xf32, #tpu.memory_space<vmem>> -> memref<200x32xf32, #tpu.memory_space<vmem>>
    %dma_wait3A_482 = arith.constant 0 : i32
    %dma_wait3A_483 = arith.constant 0 : i32
    %dma_wait3A_484 = tpu.memref_slice %arg4[%add3A_475, %dma_wait3A_482, %dma_wait3A_483] : memref<4096x200x32xf32, #tpu.memory_space<hbm>> -> memref<1x200x32xf32, #tpu.memory_space<hbm>>
    %dma_wait3A_485 = tpu.memref_squeeze %dma_wait3A_484 : memref<1x200x32xf32, #tpu.memory_space<hbm>> -> memref<200x32xf32, #tpu.memory_space<hbm>>
    %dma_wait3A_486 = tpu.memref_slice %arg8[%dma_wait3A_477] : memref<2x!tpu.dma_semaphore, #tpu.memory_space<semaphore_mem>> -> memref<1x!tpu.dma_semaphore, #tpu.memory_space<semaphore_mem>>
    %dma_wait3A_487 = tpu.memref_squeeze %dma_wait3A_486 : memref<1x!tpu.dma_semaphore, #tpu.memory_space<semaphore_mem>> -> memref<!tpu.dma_semaphore, #tpu.memory_space<semaphore_mem>>
    %dma_wait3A_488 = arith.constant 0 : i32
    %dma_wait3A_489 = arith.constant 0 : i32
    %dma_wait3A_490 = tpu.memref_slice %arg4[%add3A_475, %dma_wait3A_488, %dma_wait3A_489] : memref<4096x200x32xf32, #tpu.memory_space<hbm>> -> memref<1x200x32xf32, #tpu.memory_space<hbm>>
    %dma_wait3A_491 = tpu.memref_squeeze %dma_wait3A_490 : memref<1x200x32xf32, #tpu.memory_space<hbm>> -> memref<200x32xf32, #tpu.memory_space<hbm>>
    %dma_wait3A_492 = arith.constant 400 : i32
    %dma_wait3A_493 = arith.constant 0 : i32
    %dma_wait3A_494 = tpu.memref_slice %arg6[%dma_wait3A_476, %dma_wait3A_492, %dma_wait3A_493] : memref<2x1600x32xf32, #tpu.memory_space<vmem>> -> memref<1x200x32xf32, #tpu.memory_space<vmem>>
    %dma_wait3A_495 = tpu.memref_squeeze %dma_wait3A_494 : memref<1x200x32xf32, #tpu.memory_space<vmem>> -> memref<200x32xf32, #tpu.memory_space<vmem>>
    tpu.wait_dma2 semaphore(%dma_wait3A_487 : memref<!tpu.dma_semaphore, #tpu.memory_space<semaphore_mem>>) src(%dma_wait3A_495 : memref<200x32xf32, #tpu.memory_space<vmem>>) dst(%dma_wait3A_491 : memref<200x32xf32, #tpu.memory_space<hbm>>)
    %add3A_496 = arith.constant 120 : i32
    %add3A_497 = arith.addi %mul3A_4, %add3A_496 : i32
    %add3A_498 = arith.constant 3 : i32
    %add3A_499 = arith.addi %add3A_497, %add3A_498 : i32
    %dma_wait3A_500 = arith.constant 1 : i32
    %dma_wait3A_501 = arith.constant 1 : i32
    %dma_wait3A_502 = arith.constant 600 : i32
    %dma_wait3A_503 = arith.constant 0 : i32
    %dma_wait3A_504 = tpu.memref_slice %arg6[%dma_wait3A_500, %dma_wait3A_502, %dma_wait3A_503] : memref<2x1600x32xf32, #tpu.memory_space<vmem>> -> memref<1x200x32xf32, #tpu.memory_space<vmem>>
    %dma_wait3A_505 = tpu.memref_squeeze %dma_wait3A_504 : memref<1x200x32xf32, #tpu.memory_space<vmem>> -> memref<200x32xf32, #tpu.memory_space<vmem>>
    %dma_wait3A_506 = arith.constant 0 : i32
    %dma_wait3A_507 = arith.constant 0 : i32
    %dma_wait3A_508 = tpu.memref_slice %arg4[%add3A_499, %dma_wait3A_506, %dma_wait3A_507] : memref<4096x200x32xf32, #tpu.memory_space<hbm>> -> memref<1x200x32xf32, #tpu.memory_space<hbm>>
    %dma_wait3A_509 = tpu.memref_squeeze %dma_wait3A_508 : memref<1x200x32xf32, #tpu.memory_space<hbm>> -> memref<200x32xf32, #tpu.memory_space<hbm>>
    %dma_wait3A_510 = tpu.memref_slice %arg8[%dma_wait3A_501] : memref<2x!tpu.dma_semaphore, #tpu.memory_space<semaphore_mem>> -> memref<1x!tpu.dma_semaphore, #tpu.memory_space<semaphore_mem>>
    %dma_wait3A_511 = tpu.memref_squeeze %dma_wait3A_510 : memref<1x!tpu.dma_semaphore, #tpu.memory_space<semaphore_mem>> -> memref<!tpu.dma_semaphore, #tpu.memory_space<semaphore_mem>>
    %dma_wait3A_512 = arith.constant 0 : i32
    %dma_wait3A_513 = arith.constant 0 : i32
    %dma_wait3A_514 = tpu.memref_slice %arg4[%add3A_499, %dma_wait3A_512, %dma_wait3A_513] : memref<4096x200x32xf32, #tpu.memory_space<hbm>> -> memref<1x200x32xf32, #tpu.memory_space<hbm>>
    %dma_wait3A_515 = tpu.memref_squeeze %dma_wait3A_514 : memref<1x200x32xf32, #tpu.memory_space<hbm>> -> memref<200x32xf32, #tpu.memory_space<hbm>>
    %dma_wait3A_516 = arith.constant 600 : i32
    %dma_wait3A_517 = arith.constant 0 : i32
    %dma_wait3A_518 = tpu.memref_slice %arg6[%dma_wait3A_500, %dma_wait3A_516, %dma_wait3A_517] : memref<2x1600x32xf32, #tpu.memory_space<vmem>> -> memref<1x200x32xf32, #tpu.memory_space<vmem>>
    %dma_wait3A_519 = tpu.memref_squeeze %dma_wait3A_518 : memref<1x200x32xf32, #tpu.memory_space<vmem>> -> memref<200x32xf32, #tpu.memory_space<vmem>>
    tpu.wait_dma2 semaphore(%dma_wait3A_511 : memref<!tpu.dma_semaphore, #tpu.memory_space<semaphore_mem>>) src(%dma_wait3A_519 : memref<200x32xf32, #tpu.memory_space<vmem>>) dst(%dma_wait3A_515 : memref<200x32xf32, #tpu.memory_space<hbm>>)
    %add3A_520 = arith.constant 120 : i32
    %add3A_521 = arith.addi %mul3A_4, %add3A_520 : i32
    %add3A_522 = arith.constant 4 : i32
    %add3A_523 = arith.addi %add3A_521, %add3A_522 : i32
    %dma_wait3A_524 = arith.constant 1 : i32
    %dma_wait3A_525 = arith.constant 1 : i32
    %dma_wait3A_526 = arith.constant 800 : i32
    %dma_wait3A_527 = arith.constant 0 : i32
    %dma_wait3A_528 = tpu.memref_slice %arg6[%dma_wait3A_524, %dma_wait3A_526, %dma_wait3A_527] : memref<2x1600x32xf32, #tpu.memory_space<vmem>> -> memref<1x200x32xf32, #tpu.memory_space<vmem>>
    %dma_wait3A_529 = tpu.memref_squeeze %dma_wait3A_528 : memref<1x200x32xf32, #tpu.memory_space<vmem>> -> memref<200x32xf32, #tpu.memory_space<vmem>>
    %dma_wait3A_530 = arith.constant 0 : i32
    %dma_wait3A_531 = arith.constant 0 : i32
    %dma_wait3A_532 = tpu.memref_slice %arg4[%add3A_523, %dma_wait3A_530, %dma_wait3A_531] : memref<4096x200x32xf32, #tpu.memory_space<hbm>> -> memref<1x200x32xf32, #tpu.memory_space<hbm>>
    %dma_wait3A_533 = tpu.memref_squeeze %dma_wait3A_532 : memref<1x200x32xf32, #tpu.memory_space<hbm>> -> memref<200x32xf32, #tpu.memory_space<hbm>>
    %dma_wait3A_534 = tpu.memref_slice %arg8[%dma_wait3A_525] : memref<2x!tpu.dma_semaphore, #tpu.memory_space<semaphore_mem>> -> memref<1x!tpu.dma_semaphore, #tpu.memory_space<semaphore_mem>>
    %dma_wait3A_535 = tpu.memref_squeeze %dma_wait3A_534 : memref<1x!tpu.dma_semaphore, #tpu.memory_space<semaphore_mem>> -> memref<!tpu.dma_semaphore, #tpu.memory_space<semaphore_mem>>
    %dma_wait3A_536 = arith.constant 0 : i32
    %dma_wait3A_537 = arith.constant 0 : i32
    %dma_wait3A_538 = tpu.memref_slice %arg4[%add3A_523, %dma_wait3A_536, %dma_wait3A_537] : memref<4096x200x32xf32, #tpu.memory_space<hbm>> -> memref<1x200x32xf32, #tpu.memory_space<hbm>>
    %dma_wait3A_539 = tpu.memref_squeeze %dma_wait3A_538 : memref<1x200x32xf32, #tpu.memory_space<hbm>> -> memref<200x32xf32, #tpu.memory_space<hbm>>
    %dma_wait3A_540 = arith.constant 800 : i32
    %dma_wait3A_541 = arith.constant 0 : i32
    %dma_wait3A_542 = tpu.memref_slice %arg6[%dma_wait3A_524, %dma_wait3A_540, %dma_wait3A_541] : memref<2x1600x32xf32, #tpu.memory_space<vmem>> -> memref<1x200x32xf32, #tpu.memory_space<vmem>>
    %dma_wait3A_543 = tpu.memref_squeeze %dma_wait3A_542 : memref<1x200x32xf32, #tpu.memory_space<vmem>> -> memref<200x32xf32, #tpu.memory_space<vmem>>
    tpu.wait_dma2 semaphore(%dma_wait3A_535 : memref<!tpu.dma_semaphore, #tpu.memory_space<semaphore_mem>>) src(%dma_wait3A_543 : memref<200x32xf32, #tpu.memory_space<vmem>>) dst(%dma_wait3A_539 : memref<200x32xf32, #tpu.memory_space<hbm>>)
    %add3A_544 = arith.constant 120 : i32
    %add3A_545 = arith.addi %mul3A_4, %add3A_544 : i32
    %add3A_546 = arith.constant 5 : i32
    %add3A_547 = arith.addi %add3A_545, %add3A_546 : i32
    %dma_wait3A_548 = arith.constant 1 : i32
    %dma_wait3A_549 = arith.constant 1 : i32
    %dma_wait3A_550 = arith.constant 1000 : i32
    %dma_wait3A_551 = arith.constant 0 : i32
    %dma_wait3A_552 = tpu.memref_slice %arg6[%dma_wait3A_548, %dma_wait3A_550, %dma_wait3A_551] : memref<2x1600x32xf32, #tpu.memory_space<vmem>> -> memref<1x200x32xf32, #tpu.memory_space<vmem>>
    %dma_wait3A_553 = tpu.memref_squeeze %dma_wait3A_552 : memref<1x200x32xf32, #tpu.memory_space<vmem>> -> memref<200x32xf32, #tpu.memory_space<vmem>>
    %dma_wait3A_554 = arith.constant 0 : i32
    %dma_wait3A_555 = arith.constant 0 : i32
    %dma_wait3A_556 = tpu.memref_slice %arg4[%add3A_547, %dma_wait3A_554, %dma_wait3A_555] : memref<4096x200x32xf32, #tpu.memory_space<hbm>> -> memref<1x200x32xf32, #tpu.memory_space<hbm>>
    %dma_wait3A_557 = tpu.memref_squeeze %dma_wait3A_556 : memref<1x200x32xf32, #tpu.memory_space<hbm>> -> memref<200x32xf32, #tpu.memory_space<hbm>>
    %dma_wait3A_558 = tpu.memref_slice %arg8[%dma_wait3A_549] : memref<2x!tpu.dma_semaphore, #tpu.memory_space<semaphore_mem>> -> memref<1x!tpu.dma_semaphore, #tpu.memory_space<semaphore_mem>>
    %dma_wait3A_559 = tpu.memref_squeeze %dma_wait3A_558 : memref<1x!tpu.dma_semaphore, #tpu.memory_space<semaphore_mem>> -> memref<!tpu.dma_semaphore, #tpu.memory_space<semaphore_mem>>
    %dma_wait3A_560 = arith.constant 0 : i32
    %dma_wait3A_561 = arith.constant 0 : i32
    %dma_wait3A_562 = tpu.memref_slice %arg4[%add3A_547, %dma_wait3A_560, %dma_wait3A_561] : memref<4096x200x32xf32, #tpu.memory_space<hbm>> -> memref<1x200x32xf32, #tpu.memory_space<hbm>>
    %dma_wait3A_563 = tpu.memref_squeeze %dma_wait3A_562 : memref<1x200x32xf32, #tpu.memory_space<hbm>> -> memref<200x32xf32, #tpu.memory_space<hbm>>
    %dma_wait3A_564 = arith.constant 1000 : i32
    %dma_wait3A_565 = arith.constant 0 : i32
    %dma_wait3A_566 = tpu.memref_slice %arg6[%dma_wait3A_548, %dma_wait3A_564, %dma_wait3A_565] : memref<2x1600x32xf32, #tpu.memory_space<vmem>> -> memref<1x200x32xf32, #tpu.memory_space<vmem>>
    %dma_wait3A_567 = tpu.memref_squeeze %dma_wait3A_566 : memref<1x200x32xf32, #tpu.memory_space<vmem>> -> memref<200x32xf32, #tpu.memory_space<vmem>>
    tpu.wait_dma2 semaphore(%dma_wait3A_559 : memref<!tpu.dma_semaphore, #tpu.memory_space<semaphore_mem>>) src(%dma_wait3A_567 : memref<200x32xf32, #tpu.memory_space<vmem>>) dst(%dma_wait3A_563 : memref<200x32xf32, #tpu.memory_space<hbm>>)
    %add3A_568 = arith.constant 120 : i32
    %add3A_569 = arith.addi %mul3A_4, %add3A_568 : i32
    %add3A_570 = arith.constant 6 : i32
    %add3A_571 = arith.addi %add3A_569, %add3A_570 : i32
    %dma_wait3A_572 = arith.constant 1 : i32
    %dma_wait3A_573 = arith.constant 1 : i32
    %dma_wait3A_574 = arith.constant 1200 : i32
    %dma_wait3A_575 = arith.constant 0 : i32
    %dma_wait3A_576 = tpu.memref_slice %arg6[%dma_wait3A_572, %dma_wait3A_574, %dma_wait3A_575] : memref<2x1600x32xf32, #tpu.memory_space<vmem>> -> memref<1x200x32xf32, #tpu.memory_space<vmem>>
    %dma_wait3A_577 = tpu.memref_squeeze %dma_wait3A_576 : memref<1x200x32xf32, #tpu.memory_space<vmem>> -> memref<200x32xf32, #tpu.memory_space<vmem>>
    %dma_wait3A_578 = arith.constant 0 : i32
    %dma_wait3A_579 = arith.constant 0 : i32
    %dma_wait3A_580 = tpu.memref_slice %arg4[%add3A_571, %dma_wait3A_578, %dma_wait3A_579] : memref<4096x200x32xf32, #tpu.memory_space<hbm>> -> memref<1x200x32xf32, #tpu.memory_space<hbm>>
    %dma_wait3A_581 = tpu.memref_squeeze %dma_wait3A_580 : memref<1x200x32xf32, #tpu.memory_space<hbm>> -> memref<200x32xf32, #tpu.memory_space<hbm>>
    %dma_wait3A_582 = tpu.memref_slice %arg8[%dma_wait3A_573] : memref<2x!tpu.dma_semaphore, #tpu.memory_space<semaphore_mem>> -> memref<1x!tpu.dma_semaphore, #tpu.memory_space<semaphore_mem>>
    %dma_wait3A_583 = tpu.memref_squeeze %dma_wait3A_582 : memref<1x!tpu.dma_semaphore, #tpu.memory_space<semaphore_mem>> -> memref<!tpu.dma_semaphore, #tpu.memory_space<semaphore_mem>>
    %dma_wait3A_584 = arith.constant 0 : i32
    %dma_wait3A_585 = arith.constant 0 : i32
    %dma_wait3A_586 = tpu.memref_slice %arg4[%add3A_571, %dma_wait3A_584, %dma_wait3A_585] : memref<4096x200x32xf32, #tpu.memory_space<hbm>> -> memref<1x200x32xf32, #tpu.memory_space<hbm>>
    %dma_wait3A_587 = tpu.memref_squeeze %dma_wait3A_586 : memref<1x200x32xf32, #tpu.memory_space<hbm>> -> memref<200x32xf32, #tpu.memory_space<hbm>>
    %dma_wait3A_588 = arith.constant 1200 : i32
    %dma_wait3A_589 = arith.constant 0 : i32
    %dma_wait3A_590 = tpu.memref_slice %arg6[%dma_wait3A_572, %dma_wait3A_588, %dma_wait3A_589] : memref<2x1600x32xf32, #tpu.memory_space<vmem>> -> memref<1x200x32xf32, #tpu.memory_space<vmem>>
    %dma_wait3A_591 = tpu.memref_squeeze %dma_wait3A_590 : memref<1x200x32xf32, #tpu.memory_space<vmem>> -> memref<200x32xf32, #tpu.memory_space<vmem>>
    tpu.wait_dma2 semaphore(%dma_wait3A_583 : memref<!tpu.dma_semaphore, #tpu.memory_space<semaphore_mem>>) src(%dma_wait3A_591 : memref<200x32xf32, #tpu.memory_space<vmem>>) dst(%dma_wait3A_587 : memref<200x32xf32, #tpu.memory_space<hbm>>)
    %add3A_592 = arith.constant 120 : i32
    %add3A_593 = arith.addi %mul3A_4, %add3A_592 : i32
    %add3A_594 = arith.constant 7 : i32
    %add3A_595 = arith.addi %add3A_593, %add3A_594 : i32
    %dma_wait3A_596 = arith.constant 1 : i32
    %dma_wait3A_597 = arith.constant 1 : i32
    %dma_wait3A_598 = arith.constant 1400 : i32
    %dma_wait3A_599 = arith.constant 0 : i32
    %dma_wait3A_600 = tpu.memref_slice %arg6[%dma_wait3A_596, %dma_wait3A_598, %dma_wait3A_599] : memref<2x1600x32xf32, #tpu.memory_space<vmem>> -> memref<1x200x32xf32, #tpu.memory_space<vmem>>
    %dma_wait3A_601 = tpu.memref_squeeze %dma_wait3A_600 : memref<1x200x32xf32, #tpu.memory_space<vmem>> -> memref<200x32xf32, #tpu.memory_space<vmem>>
    %dma_wait3A_602 = arith.constant 0 : i32
    %dma_wait3A_603 = arith.constant 0 : i32
    %dma_wait3A_604 = tpu.memref_slice %arg4[%add3A_595, %dma_wait3A_602, %dma_wait3A_603] : memref<4096x200x32xf32, #tpu.memory_space<hbm>> -> memref<1x200x32xf32, #tpu.memory_space<hbm>>
    %dma_wait3A_605 = tpu.memref_squeeze %dma_wait3A_604 : memref<1x200x32xf32, #tpu.memory_space<hbm>> -> memref<200x32xf32, #tpu.memory_space<hbm>>
    %dma_wait3A_606 = tpu.memref_slice %arg8[%dma_wait3A_597] : memref<2x!tpu.dma_semaphore, #tpu.memory_space<semaphore_mem>> -> memref<1x!tpu.dma_semaphore, #tpu.memory_space<semaphore_mem>>
    %dma_wait3A_607 = tpu.memref_squeeze %dma_wait3A_606 : memref<1x!tpu.dma_semaphore, #tpu.memory_space<semaphore_mem>> -> memref<!tpu.dma_semaphore, #tpu.memory_space<semaphore_mem>>
    %dma_wait3A_608 = arith.constant 0 : i32
    %dma_wait3A_609 = arith.constant 0 : i32
    %dma_wait3A_610 = tpu.memref_slice %arg4[%add3A_595, %dma_wait3A_608, %dma_wait3A_609] : memref<4096x200x32xf32, #tpu.memory_space<hbm>> -> memref<1x200x32xf32, #tpu.memory_space<hbm>>
    %dma_wait3A_611 = tpu.memref_squeeze %dma_wait3A_610 : memref<1x200x32xf32, #tpu.memory_space<hbm>> -> memref<200x32xf32, #tpu.memory_space<hbm>>
    %dma_wait3A_612 = arith.constant 1400 : i32
    %dma_wait3A_613 = arith.constant 0 : i32
    %dma_wait3A_614 = tpu.memref_slice %arg6[%dma_wait3A_596, %dma_wait3A_612, %dma_wait3A_613] : memref<2x1600x32xf32, #tpu.memory_space<vmem>> -> memref<1x200x32xf32, #tpu.memory_space<vmem>>
    %dma_wait3A_615 = tpu.memref_squeeze %dma_wait3A_614 : memref<1x200x32xf32, #tpu.memory_space<vmem>> -> memref<200x32xf32, #tpu.memory_space<vmem>>
    tpu.wait_dma2 semaphore(%dma_wait3A_607 : memref<!tpu.dma_semaphore, #tpu.memory_space<semaphore_mem>>) src(%dma_wait3A_615 : memref<200x32xf32, #tpu.memory_space<vmem>>) dst(%dma_wait3A_611 : memref<200x32xf32, #tpu.memory_space<hbm>>)
    return
  }
}

module attributes {stable_mosaic.version = 14 : i64} {
  func.func @body(%arg0: i32, %arg1: memref<32x16384xf32, #tpu.memory_space<vmem>>, %arg2: memref<4096x128xf32, #tpu.memory_space<vmem>>) attributes {dimension_semantics = [#tpu.dimension_semantics<arbitrary>], iteration_bounds = array<i64: 62>, scalar_prefetch = 0 : i64, scratch_operands = 0 : i64, tpu.core_type = #tpu.core_type<tc>, window_params = [{transform_indices = @transform_0, window_bounds = array<i64: 32, 16384>}, {transform_indices = @transform_1, window_bounds = array<i64: 4096, 128>}]} {
    %get3A = arith.constant 0 : index
    %get3A_0 = arith.constant 0 : index
    %get3A_1 = vector.load %arg1[%get3A, %get3A_0] : memref<32x16384xf32, #tpu.memory_space<vmem>>, vector<32x16384xf32>
    %iota3A = tpu.iota {dimensions = array<i32: 0>} : vector<32x128xi32>
    %iota3A_2 = tpu.iota {dimensions = array<i32: 1>} : vector<32x128xi32>
    %add3A = arith.constant 0 : i32
    %add3A_3 = vector.broadcast %add3A : i32 to vector<32x128xi32>
    %add3A_4 = arith.addi %iota3A, %add3A_3 : vector<32x128xi32>
    %eq3A = arith.cmpi eq, %add3A_4, %iota3A_2 : vector<32x128xi32>
    %convert_element_type3A = arith.extui %eq3A : vector<32x128xi1> to vector<32x128xi32>
    %convert_element_type3A_5 = arith.sitofp %convert_element_type3A : vector<32x128xi32> to vector<32x128xf32>
    %dot_general3A = arith.constant dense<0.000000e+00> : vector<16384x128xf32>
    %dot_general3A_6 = tpu.matmul %get3A_1, %convert_element_type3A_5, %dot_general3A {dimension_numbers = #tpu.dot_dimension_numbers<[0], [0], [1], [1], [0, 1, 1, 1], [], []>, transpose_lhs_hint = false} : vector<32x16384xf32>, vector<32x128xf32>, vector<16384x128xf32> -> vector<16384x128xf32>
    %slice3A = vector.extract_strided_slice %dot_general3A_6 {offsets = [0, 0], sizes = [4096, 128], strides = [1, 1]} : vector<16384x128xf32> to vector<4096x128xf32>
    %slice3A_7 = vector.extract_strided_slice %dot_general3A_6 {offsets = [4096, 0], sizes = [4096, 128], strides = [1, 1]} : vector<16384x128xf32> to vector<4096x128xf32>
    %slice3A_8 = vector.extract_strided_slice %slice3A_7 {offsets = [0, 96], sizes = [4096, 32], strides = [1, 1]} : vector<4096x128xf32> to vector<4096x32xf32>
    %slice3A_9 = vector.extract_strided_slice %slice3A_7 {offsets = [0, 0], sizes = [4096, 96], strides = [1, 1]} : vector<4096x128xf32> to vector<4096x96xf32>
    %concatenate3A = tpu.concatenate %slice3A_8, %slice3A_9 in 1 : vector<4096x32xf32>, vector<4096x96xf32> -> vector<4096x128xf32>
    %add3A_10 = arith.addf %slice3A, %concatenate3A : vector<4096x128xf32>
    %slice3A_11 = vector.extract_strided_slice %dot_general3A_6 {offsets = [8192, 0], sizes = [4096, 128], strides = [1, 1]} : vector<16384x128xf32> to vector<4096x128xf32>
    %slice3A_12 = vector.extract_strided_slice %slice3A_11 {offsets = [0, 64], sizes = [4096, 64], strides = [1, 1]} : vector<4096x128xf32> to vector<4096x64xf32>
    %slice3A_13 = vector.extract_strided_slice %slice3A_11 {offsets = [0, 0], sizes = [4096, 64], strides = [1, 1]} : vector<4096x128xf32> to vector<4096x64xf32>
    %concatenate3A_14 = tpu.concatenate %slice3A_12, %slice3A_13 in 1 : vector<4096x64xf32>, vector<4096x64xf32> -> vector<4096x128xf32>
    %add3A_15 = arith.addf %add3A_10, %concatenate3A_14 : vector<4096x128xf32>
    %slice3A_16 = vector.extract_strided_slice %dot_general3A_6 {offsets = [12288, 0], sizes = [4096, 128], strides = [1, 1]} : vector<16384x128xf32> to vector<4096x128xf32>
    %slice3A_17 = vector.extract_strided_slice %slice3A_16 {offsets = [0, 32], sizes = [4096, 96], strides = [1, 1]} : vector<4096x128xf32> to vector<4096x96xf32>
    %slice3A_18 = vector.extract_strided_slice %slice3A_16 {offsets = [0, 0], sizes = [4096, 32], strides = [1, 1]} : vector<4096x128xf32> to vector<4096x32xf32>
    %concatenate3A_19 = tpu.concatenate %slice3A_17, %slice3A_18 in 1 : vector<4096x96xf32>, vector<4096x32xf32> -> vector<4096x128xf32>
    %add3A_20 = arith.addf %add3A_15, %concatenate3A_19 : vector<4096x128xf32>
    %swap3A = arith.constant 0 : index
    %swap3A_21 = arith.constant 0 : index
    %swap3A_22 = vector.load %arg2[%swap3A, %swap3A_21] : memref<4096x128xf32, #tpu.memory_space<vmem>>, vector<4096x128xf32>
    tpu.vector_store %arg2[%swap3A, %swap3A_21], %add3A_20 {strides = array<i32>} : memref<4096x128xf32, #tpu.memory_space<vmem>>, vector<4096x128xf32>,
    return
  }
  func.func @transform_0(%arg0: i32) -> (i32, i32) {
    %c0_i32 = arith.constant 0 : i32
    %c0_i32_0 = arith.constant 0 : i32
    return %c0_i32, %arg0 : i32, i32
  }
  func.func @transform_1(%arg0: i32) -> (i32, i32) {
    %c0_i32 = arith.constant 0 : i32
    %c0_i32_0 = arith.constant 0 : i32
    return %arg0, %c0_i32 : i32, i32
  }
}

</mosaic_0001>

<sc_bundles>
// kernel: _gather_rows.4.cloned.1.call-start
scs
__scs_entry_jumppad:
0x0: {  	(pc) =	sbr.rel $0x88, $3  }
0x1: {  	(tag) =	ssettag $0x0;
	lr =	simm.s32 $0x1  }
0x2: {  	[smem:$0x3F9F] =	sst lr;
	_ =	strace $0xD0000000  }
0x3: {  	_ = 	snop  }
0x4: {  	_ = 	snop  }
0x5: {  	_ = 	snop  }
0x6: {  	_ = 	snop  }
0x7: {  	_ = 	snop  }
__scs_overlays_trampoline_lowered:
0x8: {  	[smem:$0x3FAE] =	sst s0  }
0x9: {  	[smem:$0x3FAF] =	sst s1  }
0xa: {  	[smem:$0x3FB0] =	sst s2  }
0xb: {  	[smem:$0x3FB1] =	sst s3  }
0xc: {  	[smem:$0x3FB2] =	sst s4  }
0xd: {  	[smem:$0x3FB3] =	sst s5  }
0xe: {  	[smem:$0x3FB4] =	sst s6  }
0xf: {  	[smem:$0x3FB5] =	sst s7  }
0x10: {  	[smem:$0x3FB6] =	sst s8  }
0x11: {  	[smem:$0x3FB7] =	sst s9;
	s0 =	simm.s32 @!p0 $0x0  }
0x12: {  	s1 =	sld [smem:$0x3F9D];
	s0 =	simm.s32 @p0 $0x1  }
0x13: {  	[smem:$0x3FB8] =	sst s0;
	s0 =	simm.s32 @!p1 $0x0  }
0x14: {  	s2 =	sld [smem:$0x3F9C];
	s0 =	simm.s32 @p1 $0x1  }
0x15: {  	[smem:$0x3FB9] =	sst s0;
	s0 =	simm.s32 @!p2 $0x0  }
0x16: {  	s3 =	sld [smem:$0x3FDB];
	s0 =	simm.s32 @p2 $0x1  }
0x17: {  	s4 =	simm.s32 $0x1BF5;
	[smem:$0x3FBB] =	sst s0  }
0x18: {  	s0 =	sld [smem:$0x3F9E];
	_ =	swait.ge [sflag:s4], $0x0  }
0x19: {  	s7 =	sld [smem:$0x3F9F]  }
0x1a: {  	s8 =	sadd.s32 $0xFFFFE003, lr  }
0x1b: {  	s9 =	sadd.s32 $0xFFFFFEF7, lr;
	s5 =	simm.s32 $0xFFFFFFFF;
	p2 =	slt.u32 s8, $0xFFFFF086  }
0x1c: {  	p1 =	slt.u32 s9, $0xF7A;
	s5 =	simm.s32 @!p2 $0x0  }
0x1d: {  	s5 =	simm.s32 @p1 $0x1;
	p0 =	seq.s32 s7, s2  }
0x1e: {  	s7 =	smul.u32 @!p0 $0xF7A, s2;
	p2 =	seq.s32 @!p0 s5, $0x0  }
0x1f: {  	s9 =	smul.u32 $0xF7A, s1;
	s8 =	simm.s32 @!p0 $0x1BF5;
	p2 =	por !p2, p0  }
0x20: {  	[sflag:s8] =	ssyncset.s32 @!p0 $0xFFFFF086;
	s6 =	sadd.s32 @!p0 s3, s7;
	s7 =	simm.s32 @!p0 $0x108  }
0x21: {  	s3 =	sadd.s32 s3, s9;
	s6 =	sadd.s32 @!p0 $0x88, s6;
	s7 =	simm.s32 @p2 $0x1082  }
0x22: {  	[simem:s7], [sflag:s8] =	dma.local @!p0 [hbm:s6], $0xF7A  }
0x23: {  	s9 =	sor.u32 $0xD0000000, s2;
	s6 =	simm.s32 $0x108;
	_ =	swait.ge @!p0 [sflag:s8], $0x0  }
0x24: {  	s3 =	sadd.s32 $0x88, s3;
	s6 =	simm.s32 @!p1 $0x1082;
	[sflag:s4] =	ssyncset.s32 $0xFFFFF086  }
0x25: {  	[simem:s6], [sflag:s4] =	dma.local [hbm:s3], $0xF7A  }
0x26: {  	[smem:$0x3F9F] =	sst s1;
	(tag) =	ssettag s2;
	_ =	strace s9  }
0x27: {  	s1 =	sld [smem:$0x3FAF]  }
0x28: {  	s2 =	sld [smem:$0x3FB0]  }
0x29: {  	s4 =	sld [smem:$0x3FB2]  }
0x2a: {  	p0 =	seq.s32 s5, $0x0;
	s5 =	sld [smem:$0x3FB3]  }
0x2b: {  	s6 =	sld [smem:$0x3FB4]  }
0x2c: {  	s7 =	sld [smem:$0x3FB5]  }
0x2d: {  	s3 =	simm.s32 $0x108;
	s8 =	sld [smem:$0x3FB6]  }
0x2e: {  	s3 =	simm.s32 @!p0 $0x1082;
	s9 =	sld [smem:$0x3FB7]  }
0x2f: {  	lr =	sadd.s32 s0, s3;
	s0 =	sld [smem:$0x3FAE]  }
0x30: {  	s3 =	sld [smem:$0x3FB1]  }
0x31: {  	[smem:$0x3FBA] =	sst s10  }
0x32: {  	s10 =	sld [smem:$0x3FB8];
	_ =	sdelay $0x3  }
0x33: {  	p0 =	seq.s32 s10, $0x1;
	s10 =	sld [smem:$0x3FBA];
	_ =	sdelay $0x3  }
0x34: {  	[smem:$0x3FBA] =	sst s10  }
0x35: {  	s10 =	sld [smem:$0x3FB9];
	_ =	sdelay $0x3  }
0x36: {  	p1 =	seq.s32 s10, $0x1;
	s10 =	sld [smem:$0x3FBA];
	_ =	sdelay $0x3  }
0x37: {  	[smem:$0x3FBA] =	sst s10  }
0x38: {  	s10 =	sld [smem:$0x3FBB]  }
0x39: {  	_ = 	snop;
	(pc) =	sbr.ind lr, $3  }
0x3a: {  	_ = 	snop  }
0x3b: {  	_ = 	snop  }
0x3c: {  	p2 =	seq.s32 s10, $0x1;
	s10 =	sld [smem:$0x3FBA]  }
0x3d: {  	_ =	shalt  }
0x3e: {  	_ =	shalt  }
0x3f: {  	_ =	shalt  }
0x40: {  	_ =	shalt  }
0x41: {  	_ =	shalt  }
0x42: {  	_ =	shalt  }
0x43: {  	_ =	shalt  }
0x44: {  	_ =	shalt  }
0x45: {  	_ =	shalt  }
0x46: {  	_ =	shalt  }
0x47: {  	_ =	shalt  }
0x48: {  	_ =	shalt  }
0x49: {  	_ =	shalt  }
0x4a: {  	_ =	shalt  }
0x4b: {  	_ =	shalt  }
0x4c: {  	_ =	shalt  }
0x4d: {  	_ =	shalt  }
0x4e: {  	_ =	shalt  }
0x4f: {  	_ =	shalt  }
0x50: {  	_ =	shalt  }
0x51: {  	_ =	shalt  }
0x52: {  	_ =	shalt  }
0x53: {  	_ =	shalt  }
0x54: {  	_ =	shalt  }
0x55: {  	_ =	shalt  }
0x56: {  	_ =	shalt  }
0x57: {  	_ =	shalt  }
0x58: {  	_ =	shalt  }
0x59: {  	_ =	shalt  }
0x5a: {  	_ =	shalt  }
0x5b: {  	_ =	shalt  }
0x5c: {  	_ =	shalt  }
0x5d: {  	_ =	shalt  }
0x5e: {  	_ =	shalt  }
0x5f: {  	_ =	shalt  }
0x60: {  	_ =	shalt  }
0x61: {  	_ =	shalt  }
0x62: {  	_ =	shalt  }
0x63: {  	_ =	shalt  }
0x64: {  	_ =	shalt  }
0x65: {  	_ =	shalt  }
0x66: {  	_ =	shalt  }
0x67: {  	_ =	shalt  }
0x68: {  	_ =	shalt  }
0x69: {  	_ =	shalt  }
0x6a: {  	_ =	shalt  }
0x6b: {  	_ =	shalt  }
0x6c: {  	_ =	shalt  }
0x6d: {  	_ =	shalt  }
0x6e: {  	_ =	shalt  }
0x6f: {  	_ =	shalt  }
0x70: {  	_ =	shalt  }
0x71: {  	_ =	shalt  }
0x72: {  	_ =	shalt  }
0x73: {  	_ =	shalt  }
0x74: {  	_ =	shalt  }
0x75: {  	_ =	shalt  }
0x76: {  	_ =	shalt  }
0x77: {  	_ =	shalt  }
0x78: {  	_ =	shalt  }
0x79: {  	_ =	shalt  }
0x7a: {  	_ =	shalt  }
0x7b: {  	_ =	shalt  }
0x7c: {  	_ =	shalt  }
0x7d: {  	_ =	shalt  }
0x7e: {  	_ =	shalt  }
0x7f: {  	_ =	shalt  }
0x80: {  	_ =	shalt  }
0x81: {  	_ =	shalt  }
0x82: {  	_ =	shalt  }
0x83: {  	_ =	shalt  }
0x84: {  	_ =	shalt  }
0x85: {  	_ =	shalt  }
0x86: {  	_ =	shalt  }
0x87: {  	_ =	shalt  }
.Lfunc_end0:
.L_simem_size_0:
called_computation.1_lowered:
.L_overlay_start_0:
0x88: {  	s2 =	sld [smem:$0x3FD9]  }
0x89: {  	s3 =	sld [smem:$0x3FFE];
	_ =	sdelay $0x1  }
0x8a: {  	s1 =	srdreg.scid  }
0x8b: {  	s0 =	sand.u32 $0x1, s1  }
0x8c: {  	s17 =	sshll.u32 s0, $0xA;
	s2 =	sadd.s32 s3, s2  }
0x8d: {  	s2 =	sadd.s32 s2, s17  }
0x8e: {  	[smem:$0x3FC6] =	sst s2  }
0x8f: {  	_ = 	snop  }
0x90: {  	s2 =	sld [smem:$0x3FC9]  }
0x91: {  	s18 =	sld [smem:$0x3FD0];
	(tm) =	ssettm $0x1  }
0x92: {  	s4 =	sld [smem:$0x3FFB];
	_ =	sdelay $0x3  }
0x93: {  	_ =	strace s4  }
0x94: {  	s4 =	sld [smem:$0x3FFC];
	_ =	sdelay $0x3  }
0x95: {  	_ =	strace s4  }
0x96: {  	s4 =	sld [smem:$0x3FFD];
	_ =	sdelay $0x3  }
0x97: {  	_ =	strace s4  }
0x98: {  	_ =	strace $0x8FFFFFFF  }
0x99: {  	s19 =	sld [smem:$0x3FDB];
	_ =	sdelay $0x1  }
0x9a: {  	s5 =	simm.s32 $_scs_section_size  }
0x9b: {  	s6 =	simm.s32 $_size__tile_overlayer_lowered;
	s7 =	simm.s32 $_tile_overlayer_lowered  }
0x9c: {  	s22 =	simm.s32 $0x1BFF;
	s21 =	sshll.u32 s7, $0x1;
	s4 =	sadd.s32 s5, s19  }
0x9d: {  	s8 =	simm.s32 $0x0;
	s20 =	sshll.u32 s6, $0x1;
	s6 =	sadd.s32 s21, s4  }
0x9e: {  	[timem:s8], [sflag:s22] =	dma.local [hbm:s6], s20  }
0x9f: {  	_ =	swait.ge [sflag:s22], s20  }
0xa0: {  	s5 =	ssub.s32 $0x0, s20;
	[sflag:s22] =	ssyncset.done $0x0  }
0xa1: {  	[sflag:s22] =	ssyncadd.s32 s5;
	_ =	sdelay $0x1  }
0xa2: {  	s23 =	simm.s32 $0x1B8B  }
0xa3: {  	_ =	swait.ge [sflag:s23], $0x1  }
0xa4: {  	[sflag:s23] =	ssyncset.done $0x0  }
0xa5: {  	s25 =	simm.s32 $0x1B8E;
	s24 =	sld [smem:$0x3FFE];
	[sflag:s23] =	ssyncadd.s32 $0xFFFFFFFF  }
0xa6: {  	s26 =	simm.s32 $execute0_lowered;
	[smem:$0x3FD2] =	sst s25  }
0xa7: {  	s6 =	sshll.u32 s26, $0x1;
	_ =	strace $0x80000046;
	[dreg:$0x1] =	wrdreg $0xFFFFFFFF  }
0xa8: {  	s28 =	simm.s32 $_size_execute0_lowered;
	s4 =	sadd.s32 s4, s6;
	[dreg:$0x0] =	wrdreg $0x0  }
0xa9: {  	s6 =	sshll.u32 s28, $0x1;
	[dreg:$0x2] =	wrdreg s4  }
0xaa: {  	[dreg:$0x3] =	wrdreg s6  }
0xab: {  	[dreg:$0x4] =	wrdreg $0xC0  }
0xac: {  	_ =	task [dreg:s8], $0x5FFFF  }
0xad: {  	[dreg:$0x1] =	wrdreg $0xFFFFFFFF  }
0xae: {  	[dreg:$0x0] =	wrdreg $0x60  }
0xaf: {  	[dreg:$0x2] =	wrdreg s24  }
0xb0: {  	[dreg:$0x3] =	wrdreg s2  }
0xb1: {  	[dreg:$0x4] =	wrdreg s18  }
0xb2: {  	[dreg:$0x5] =	wrdreg $0x9  }
0xb3: {  	_ =	task.clear_ibuf [dreg:s8], $0x6FFFF;
	_ =	strace $0x90000046  }
0xb4: {  	s29 =	simm.s32 $0x9;
	_ =	strace $0x80000048  }
0xb5: {  	_ =	swait.ge [sflag:s29], $0x1  }
0xb6: {  	[sflag:s29] =	ssyncadd.s32 $0xFFFFFFFF  }
0xb7: {  	_ =	strace $0x90000048  }
0xb8: {  	_ =	sfence  }
0xb9: {  	s30 =	sld [smem:$0x0];
	_ =	sdelay $0x2  }
0xba: {  	s31 =	sshll.u32 s1, $0xD;
	s1 =	sshrl.u32 s1, $0x2  }
0xbb: {  	s3 =	sand.u32 $0x4000, s31;
	s1 =	sadd.s32 s1, s30  }
0xbc: {  	s0 =	sor.u32 s3, s0;
	s1 =	sshll.u32 s1, $0x11  }
0xbd: {  	s0 =	sor.u32 s1, s0  }
0xbe: {  	s0 =	sadd.s32 $0x8F2B, s0  }
0xbf: {  	[sflag:s0] =	ssyncadd.remote.s32 $0x1  }
0xc0: {  	_ =	sfence.sel $0xFFFF  }
0xc1: {  	[dreg:$0x0] =	wrdreg $0xFFFFFFFF;
	(pc) =	sbr.abs _section_cstart, $3  }
0xc2: {  	[dreg:$0x1] =	wrdreg $0xFFFFFFFF  }
0xc3: {  	_ =	task.clear_ibuf [dreg:s8], $0x2FFFF;
	_ =	strace $0x9FFFFFFF  }
0xc4: {  	(tm) =	ssettm $0x7FFFFFFF  }
0xc5: {  	_ =	shalt  }
tec
execute0_lowered:
.L_overlay_start_1:
0x0: {  	(tag) =	ssettag $0x1  }
0x1: {  	s0 =	rddreg [dreg:$0x0]  }
0x2: {  	s2 =	rddreg [dreg:$0x1]  }
0x3: {  	s1 =	srdreg.scid;
	s17 =	stileid.u32  }
0x4: {  	s14 =	rddreg [dreg:$0x2];
	s29 =	simm.s32 $0x3;
	s11 =	smul.u32 $0x190000, s17  }
0x5: {  	s1 =	sand.u32 $0x1, s1;
	s3 =	sshll.u32 s17, $0x1;
	s17 =	smul.u32 $0xC800, s17  }
0x6: {  	s30 =	simm.s32 $0x4;
	s4 =	sor.u32 s1, s3;
	s12 =	smul.u32 $0xC8000, s1  }
0x7: {  	s3 =	simm.s32 $0x0;
	s5 =	ssub.s32 $0x2, s1;
	s1 =	smul.u32 $0x6400, s1  }
0x8: {  	s31 =	simm.s32 $0x0;
	s6 =	smul.u32 $0x6400, s4;
	[smem:$0x7FF] =	sst s3  }
0x9: {  	s7 =	sshrl.u32 s5, $0x1;
	s8 =	smul.u32 $0xC8000, s4;
	s4 =	sadd.s32 $0x800, s0  }
0xa: {  	_ =	strace $0x80000047;
	s0 =	ssub.s32 s5, s7;
	s15 =	sadd.s32 s12, s11  }
0xb: {  	s1 =	sadd.s32 s1, s17;
	s17 =	simm.s32 $0x640;
	s23 =	sshrl.u32 s6, $0x3  }
0xc: {  	s24 =	sshrl.u32 s8, $0x3;
	s16 =	sadd.s32 $0xAF00, s15;
	s18 =	sadd.s32 $0x9600, s15  }
0xd: {  	s28 =	sor.u32 $0x7D00, s15;
	s19 =	sor.u32 $0x6400, s15;
	s20 =	sor.u32 $0x4B00, s15  }
0xe: {  	s22 =	sor.u32 $0x3200, s15;
	s5 =	sadd.s32 s2, s23;
	s13 =	sadd.s32 s14, s24  }
0xf: {  	s16 =	sshrl.u32 s16, $0x3;
	s26 =	sshrl.u32 s18, $0x3;
	s18 =	sshrl.u32 s28, $0x3  }
0x10: {  	s6 =	sshrl.u32 s19, $0x3;
	s21 =	sshrl.u32 s20, $0x3;
	s23 =	sor.u32 $0x1900, s15  }
0x11: {  	s15 =	sshrl.u32 s15, $0x3;
	[dreg:$0xc] =	wrdreg s5;
	s25 =	sadd.s32 $0x17700, s13  }
0x12: {  	s7 =	sadd.s32 $0x17A20, s13;
	s8 =	sadd.s32 $0x17D40, s13;
	s9 =	sadd.s32 $0x18060, s13  }
0x13: {  	s10 =	sadd.s32 $0x18380, s13;
	s16 =	sadd.s32 s16, s14;
	[dreg:$0xd] =	wrdreg s25  }
0x14: {  	s11 =	sadd.s32 $0x186A0, s13;
	s5 =	sadd.s32 s18, s14;
	[dreg:$0xb] =	wrdreg s16  }
0x15: {  	s12 =	sadd.s32 $0x189C0, s13;
	s19 =	sadd.s32 s6, s14;
	[dreg:$0x9] =	wrdreg s5  }
0x16: {  	s13 =	sadd.s32 $0x18CE0, s13;
	s28 =	sadd.s32 s15, s14;
	[dreg:$0x8] =	wrdreg s19  }
0x17: {  	s18 =	sshrl.u32 s22, $0x3;
	s16 =	sadd.s32 s26, s14;
	[dreg:$0x4] =	wrdreg s28  }
0x18: {  	s15 =	sadd.s32 $0x640, s1;
	s24 =	sadd.s32 s18, s14;
	[dreg:$0xa] =	wrdreg s16  }
0x19: {  	s25 =	sshrl.u32 s23, $0x3;
	s16 =	sadd.s32 s21, s14;
	[dreg:$0x6] =	wrdreg s24  }
0x1a: {  	s19 =	simm.s32 $0x2;
	s26 =	sadd.s32 s25, s14;
	[dreg:$0x7] =	wrdreg s16  }
0x1b: {  	s14 =	smax.u32 s0, $0x1;
	[dreg:$0x5] =	wrdreg s26;
	s16 =	simm.s32 $0x5  }
.LBB2_1:
0x1c: {  	s0 =	rddreg [dreg:$0xc]  }
0x1d: {  	[tilespmem:s3], [sflag:$0x5] =	stream.linear.gather [hbm4b:s0+s3], $0x640, $0x38;
	[tilespmem:$0x19C80] =	vst v63  }
0x1e: {  	s23 =	simm.s32 $0x1;
	_ =	swait.ge [sflag:s16], $0x640  }
0x1f: {  	p0 =	por $0x1, $0x1;
	s0 =	sand.u32 $0x1, s23;
	[sflag:s16] =	ssyncset.done $0x0  }
0x20: {  	s22 =	simm.s32 $0xC80;
	s1 =	sadd.s32 @!p0 $0x3, s0;
	[sflag:s16] =	ssyncadd.s32 $0xFFFFF9C0  }
0x21: {  	[tilespmem:s22], [sflag:$0x1] =	stream.indirect.gather [hbm4b:s4+s17], $0x20, s3, s17, $0xb8;
	[tilespmem:$0x19C80] =	vst v63  }
0x22: {  	_ =	swait.ge @!p0 [sflag:s1], $0x1900  }
0x23: {  	[sflag:s1] =	ssyncset.done @!p0 $0x0  }
0x24: {  	[sflag:s1] =	ssyncadd.s32 @!p0 $0xFFFFE700  }
0x25: {  	_ =	swait.ge @!p0 [sflag:s1], $0x1900  }
0x26: {  	[sflag:s1] =	ssyncset.done @!p0 $0x0  }
0x27: {  	[sflag:s1] =	ssyncadd.s32 @!p0 $0xFFFFE700  }
0x28: {  	_ =	swait.ge @!p0 [sflag:s1], $0x1900  }
0x29: {  	[sflag:s1] =	ssyncset.done @!p0 $0x0  }
0x2a: {  	[sflag:s1] =	ssyncadd.s32 @!p0 $0xFFFFE700  }
0x2b: {  	_ =	swait.ge @!p0 [sflag:s1], $0x1900  }
0x2c: {  	[sflag:s1] =	ssyncset.done @!p0 $0x0  }
0x2d: {  	[sflag:s1] =	ssyncadd.s32 @!p0 $0xFFFFE700  }
0x2e: {  	_ =	swait.ge @!p0 [sflag:s1], $0x1900  }
0x2f: {  	[sflag:s1] =	ssyncset.done @!p0 $0x0  }
0x30: {  	[sflag:s1] =	ssyncadd.s32 @!p0 $0xFFFFE700  }
0x31: {  	_ =	swait.ge @!p0 [sflag:s1], $0x1900  }
0x32: {  	[sflag:s1] =	ssyncset.done @!p0 $0x0  }
0x33: {  	s18 =	simm.s32 $0x0;
	[sflag:s1] =	ssyncadd.s32 @!p0 $0xFFFFE700  }
0x34: {  	s18 =	sand.u32 $0x80, s18;
	_ =	swait.ge @!p0 [sflag:s1], $0x1900  }
0x35: {  	s18 =	sshrl.u32 s18, $0x7;
	s20 =	smul.u32 $0x1900, s0;
	[sflag:s1] =	ssyncset.done @!p0 $0x0  }
0x36: {  	s21 =	smul.u32 $0x32000, s0;
	s18 =	sadd.s32 $0x0, s18;
	[sflag:s1] =	ssyncadd.s32 @!p0 $0xFFFFE700  }
0x37: {  	s18 =	sand.u32 $0xFE, s18;
	s20 =	sshrl.u32 s20, $0x2;
	_ =	swait.ge @!p0 [sflag:s1], $0x1900  }
0x38: {  	s18 =	ssub.s32 $0x0, s18;
	s22 =	sshrl.u32 s15, $0x3;
	[sflag:s1] =	ssyncset.done @!p0 $0x0  }
0x39: {  	s18 =	sshll.u32 s18, $0x18;
	s24 =	sadd.s32 s2, s22;
	[sflag:s1] =	ssyncadd.s32 @!p0 $0xFFFFE700  }
0x3a: {  	[tilespmem:s20], [sflag:$0x5] =	stream.linear.gather [hbm4b:s24+s3], $0x640, $0x38;
	[tilespmem:$0x19C80] =	vst v63  }
0x3b: {  	s0 =	sadd.s32 $0x1, s0;
	s23 =	sshra.s32 s18, $0x18;
	_ =	swait.ge [sflag:s16], $0x640  }
0x3c: {  	s25 =	sshrl.u32 s21, $0x2;
	s26 =	sadd.s32 $0x1, s23;
	[sflag:s16] =	ssyncset.done $0x0  }
0x3d: {  	s5 =	smul.u32 $0x32000, s23;
	s1 =	sadd.s32 $0xC80, s25;
	[sflag:s16] =	ssyncadd.s32 $0xFFFFF9C0  }
0x3e: {  	[tilespmem:s1], [sflag:s0] =	stream.indirect.gather [hbm4b:s4+s17], $0x20, s20, s17, $0xb8;
	[tilespmem:$0x19C80] =	vst v63  }
0x3f: {  	s18 =	simm.s32 $0x3200;
	s22 =	sshra.s32 s5, $0x2;
	_ =	swait.ge [sflag:s26], $0xC800  }
0x40: {  	s23 =	sadd.s32 $0x3, s23;
	s21 =	sadd.s32 $0x2580, s22;
	s6 =	rddreg [dreg:$0x4]  }
0x41: {  	s5 =	sadd.s32 $0x3E80, s22;
	s28 =	sadd.s32 $0x8980, s22;
	s24 =	rddreg [dreg:$0x5]  }
0x42: {  	s0 =	sadd.s32 $0xC80, s22;
	[sflag:s26] =	ssyncset.done $0x0;
	s25 =	rddreg [dreg:$0x6]  }
0x43: {  	[sflag:s26] =	ssyncadd.s32 $0xFFFF3800;
	s20 =	sadd.s32 $0x0, s6;
	s6 =	rddreg [dreg:$0x9]  }
0x44: {  	[hbm4b:s20+s3] =	stream.linear.scatter [tilespmem:s0], [sflag:s23], $0x1900, $0x38;
	[tilespmem:$0x19C80] =	vst v63  }
0x45: {  	s1 =	simm.s32 $0x1900;
	s24 =	sadd.s32 $0x0, s24;
	s20 =	rddreg [dreg:$0x7]  }
0x46: {  	[hbm4b:s24+s3] =	stream.linear.scatter [tilespmem:s21], [sflag:s23], $0x1900, $0x38;
	[tilespmem:$0x19C80] =	vst v63  }
0x47: {  	s26 =	sadd.s32 $0x0, s25;
	s25 =	sadd.s32 $0x5780, s22;
	s0 =	rddreg [dreg:$0x8]  }
0x48: {  	[hbm4b:s26+s3] =	stream.linear.scatter [tilespmem:s5], [sflag:s23], $0x1900, $0x38;
	[tilespmem:$0x19C80] =	vst v63  }
0x49: {  	s20 =	sadd.s32 $0x0, s20;
	s0 =	sadd.s32 $0x0, s0;
	s24 =	sadd.s32 $0x0, s6  }
0x4a: {  	[hbm4b:s20+s3] =	stream.linear.scatter [tilespmem:s25], [sflag:s23], $0x1900, $0x38;
	[tilespmem:$0x19C80] =	vst v63  }
0x4b: {  	s21 =	simm.s32 $0x0;
	s26 =	sadd.s32 $0x7080, s22;
	s25 =	rddreg [dreg:$0xa]  }
0x4c: {  	[hbm4b:s0+s3] =	stream.linear.scatter [tilespmem:s26], [sflag:s23], $0x1900, $0x38;
	[tilespmem:$0x19C80] =	vst v63  }
0x4d: {  	s20 =	simm.s32 $0x2;
	s0 =	sadd.s32 $0x640, s15;
	s26 =	rddreg [dreg:$0xb]  }
.LBB2_2:
0x4e: {  	[hbm4b:s24+s3] =	stream.linear.scatter [tilespmem:s28], [sflag:s23], $0x1900, $0x38;
	[tilespmem:$0x19C80] =	vst v63  }
0x4f: {  	s24 =	sand.u32 $0x1, s20  }
0x50: {  	s25 =	sadd.s32 s21, s25;
	s5 =	sadd.s32 $0xA280, s22;
	p1 =	slt.u32 s20, $0x2  }
0x51: {  	[hbm4b:s25+s3] =	stream.linear.scatter [tilespmem:s5], [sflag:s23], $0x1900, $0x38;
	[tilespmem:$0x19C80] =	vst v63  }
0x52: {  	s21 =	sadd.s32 s21, s26;
	s25 =	sadd.s32 $0xBB80, s22;
	s22 =	sadd.s32 @!p1 $0x3, s24  }
0x53: {  	[hbm4b:s21+s3] =	stream.linear.scatter [tilespmem:s25], [sflag:s23], $0x1900, $0x38;
	[tilespmem:$0x19C80] =	vst v63  }
0x54: {  	_ =	swait.ge @!p1 [sflag:s22], $0x1900  }
0x55: {  	[sflag:s22] =	ssyncset.done @!p1 $0x0  }
0x56: {  	[sflag:s22] =	ssyncadd.s32 @!p1 $0xFFFFE700  }
0x57: {  	_ =	swait.ge @!p1 [sflag:s22], $0x1900  }
0x58: {  	[sflag:s22] =	ssyncset.done @!p1 $0x0  }
0x59: {  	[sflag:s22] =	ssyncadd.s32 @!p1 $0xFFFFE700  }
0x5a: {  	_ =	swait.ge @!p1 [sflag:s22], $0x1900  }
0x5b: {  	[sflag:s22] =	ssyncset.done @!p1 $0x0  }
0x5c: {  	[sflag:s22] =	ssyncadd.s32 @!p1 $0xFFFFE700  }
0x5d: {  	_ =	swait.ge @!p1 [sflag:s22], $0x1900  }
0x5e: {  	[sflag:s22] =	ssyncset.done @!p1 $0x0  }
0x5f: {  	[sflag:s22] =	ssyncadd.s32 @!p1 $0xFFFFE700  }
0x60: {  	_ =	swait.ge @!p1 [sflag:s22], $0x1900  }
0x61: {  	[sflag:s22] =	ssyncset.done @!p1 $0x0  }
0x62: {  	[sflag:s22] =	ssyncadd.s32 @!p1 $0xFFFFE700  }
0x63: {  	_ =	swait.ge @!p1 [sflag:s22], $0x1900  }
0x64: {  	s28 =	smov.u32 s18;
	s18 =	sadd.s32 $0x1900, s18;
	[sflag:s22] =	ssyncset.done @!p1 $0x0  }
0x65: {  	p0 =	sne.s32 s18, $0x17700;
	[sflag:s22] =	ssyncadd.s32 @!p1 $0xFFFFE700  }
0x66: {  	s26 =	smul.u32 $0x32000, s24;
	s25 =	sadd.s32 $0xFFFFFFFF, s20;
	_ =	swait.ge @!p1 [sflag:s22], $0x1900  }
0x67: {  	s5 =	smul.u32 $0x1900, s24;
	s6 =	sand.u32 $0x80, s25;
	[sflag:s22] =	ssyncset.done @!p1 $0x0  }
0x68: {  	s23 =	sshrl.u32 s26, $0x2;
	s26 =	sshrl.u32 s6, $0x7;
	[sflag:s22] =	ssyncadd.s32 @!p1 $0xFFFFE700  }
0x69: {  	s5 =	sshrl.u32 s5, $0x2;
	s26 =	sadd.s32 s26, s25;
	_ =	swait.ge @!p1 [sflag:s22], $0x1900  }
0x6a: {  	s6 =	sshrl.u32 s0, $0x3;
	s26 =	sand.u32 $0xFE, s26;
	[sflag:s22] =	ssyncset.done @!p1 $0x0  }
0x6b: {  	s25 =	ssub.s32 s25, s26;
	s26 =	sadd.s32 s2, s6;
	[sflag:s22] =	ssyncadd.s32 @!p1 $0xFFFFE700  }
0x6c: {  	[tilespmem:s5], [sflag:$0x5] =	stream.linear.gather [hbm4b:s26+s3], $0x640, $0x38;
	[tilespmem:$0x19C80] =	vst v63  }
0x6d: {  	s24 =	sadd.s32 $0x1, s24;
	s25 =	sshll.u32 s25, $0x18;
	_ =	swait.ge [sflag:s16], $0x640  }
0x6e: {  	s21 =	smov.u32 s1;
	s25 =	sshra.s32 s25, $0x18;
	[sflag:s16] =	ssyncset.done $0x0  }
0x6f: {  	s23 =	sadd.s32 $0xC80, s23;
	s26 =	sadd.s32 $0x1, s25;
	[sflag:s16] =	ssyncadd.s32 $0xFFFFF9C0  }
0x70: {  	[tilespmem:s23], [sflag:s24] =	stream.indirect.gather [hbm4b:s4+s17], $0x20, s5, s17, $0xb8;
	[tilespmem:$0x19C80] =	vst v63  }
0x71: {  	s1 =	smov.u32 s28;
	s6 =	smul.u32 $0x32000, s25;
	_ =	swait.ge [sflag:s26], $0xC800  }
0x72: {  	s20 =	sadd.s32 $0x1, s20;
	s0 =	sadd.s32 $0x640, s0;
	s5 =	rddreg [dreg:$0x4]  }
0x73: {  	s22 =	sshra.s32 s6, $0x2;
	s23 =	sadd.s32 $0x3, s25;
	s25 =	rddreg [dreg:$0x5]  }
0x74: {  	s24 =	sadd.s32 $0xC80, s22;
	[sflag:s26] =	ssyncset.done $0x0;
	s6 =	rddreg [dreg:$0x6]  }
0x75: {  	[sflag:s26] =	ssyncadd.s32 $0xFFFF3800;
	s5 =	sadd.s32 s21, s5;
	s26 =	rddreg [dreg:$0x7]  }
0x76: {  	[hbm4b:s5+s3] =	stream.linear.scatter [tilespmem:s24], [sflag:s23], $0x1900, $0x38;
	[tilespmem:$0x19C80] =	vst v63  }
0x77: {  	s28 =	sadd.s32 $0x2580, s22;
	s25 =	sadd.s32 s21, s25;
	s24 =	rddreg [dreg:$0x8]  }
0x78: {  	[hbm4b:s25+s3] =	stream.linear.scatter [tilespmem:s28], [sflag:s23], $0x1900, $0x38;
	[tilespmem:$0x19C80] =	vst v63  }
0x79: {  	s6 =	sadd.s32 s21, s6;
	s25 =	sadd.s32 $0x3E80, s22;
	s28 =	rddreg [dreg:$0x9]  }
0x7a: {  	[hbm4b:s6+s3] =	stream.linear.scatter [tilespmem:s25], [sflag:s23], $0x1900, $0x38;
	[tilespmem:$0x19C80] =	vst v63  }
.Ltmp0:
0x7b: {  	s6 =	sadd.s32 s21, s26;
	s26 =	sadd.s32 $0x5780, s22;
	(pc) =	sbr.rel @p0 .LBB2_2-.Ltmp0, $4  }
0x7c: {  	[hbm4b:s6+s3] =	stream.linear.scatter [tilespmem:s26], [sflag:s23], $0x1900, $0x38;
	[tilespmem:$0x19C80] =	vst v63  }
0x7d: {  	s25 =	rddreg [dreg:$0xa];
	s6 =	sadd.s32 s21, s24;
	s24 =	sadd.s32 $0x7080, s22  }
0x7e: {  	[hbm4b:s6+s3] =	stream.linear.scatter [tilespmem:s24], [sflag:s23], $0x1900, $0x38;
	[tilespmem:$0x19C80] =	vst v63  }
0x7f: {  	s26 =	rddreg [dreg:$0xb];
	s24 =	sadd.s32 s21, s28;
	s28 =	sadd.s32 $0x8980, s22  }
0x80: {  	[hbm4b:s24+s3] =	stream.linear.scatter [tilespmem:s28], [sflag:s23], $0x1900, $0x38;
	[tilespmem:$0x19C80] =	vst v63  }
0x81: {  	s5 =	sadd.s32 s21, s25;
	s6 =	sadd.s32 $0xA280, s22  }
0x82: {  	[hbm4b:s5+s3] =	stream.linear.scatter [tilespmem:s6], [sflag:s23], $0x1900, $0x38;
	[tilespmem:$0x19C80] =	vst v63  }
0x83: {  	p0 =	slt.u32 s20, $0x2;
	s5 =	sand.u32 $0x1, s20  }
0x84: {  	s21 =	sadd.s32 s21, s26;
	s24 =	sadd.s32 $0xBB80, s22;
	s6 =	sadd.s32 @!p0 $0x3, s5  }
0x85: {  	[hbm4b:s21+s3] =	stream.linear.scatter [tilespmem:s24], [sflag:s23], $0x1900, $0x38;
	[tilespmem:$0x19C80] =	vst v63  }
0x86: {  	_ =	swait.ge @!p0 [sflag:s6], $0x1900  }
0x87: {  	[sflag:s6] =	ssyncset.done @!p0 $0x0  }
0x88: {  	[sflag:s6] =	ssyncadd.s32 @!p0 $0xFFFFE700  }
0x89: {  	_ =	swait.ge @!p0 [sflag:s6], $0x1900  }
0x8a: {  	[sflag:s6] =	ssyncset.done @!p0 $0x0  }
0x8b: {  	[sflag:s6] =	ssyncadd.s32 @!p0 $0xFFFFE700  }
0x8c: {  	_ =	swait.ge @!p0 [sflag:s6], $0x1900  }
0x8d: {  	[sflag:s6] =	ssyncset.done @!p0 $0x0  }
0x8e: {  	[sflag:s6] =	ssyncadd.s32 @!p0 $0xFFFFE700  }
0x8f: {  	_ =	swait.ge @!p0 [sflag:s6], $0x1900  }
0x90: {  	[sflag:s6] =	ssyncset.done @!p0 $0x0  }
0x91: {  	[sflag:s6] =	ssyncadd.s32 @!p0 $0xFFFFE700  }
0x92: {  	_ =	swait.ge @!p0 [sflag:s6], $0x1900  }
0x93: {  	[sflag:s6] =	ssyncset.done @!p0 $0x0  }
0x94: {  	[sflag:s6] =	ssyncadd.s32 @!p0 $0xFFFFE700  }
0x95: {  	_ =	swait.ge @!p0 [sflag:s6], $0x1900  }
0x96: {  	[sflag:s6] =	ssyncset.done @!p0 $0x0  }
0x97: {  	[sflag:s6] =	ssyncadd.s32 @!p0 $0xFFFFE700  }
0x98: {  	s18 =	sadd.s32 $0xFFFFFFFF, s20;
	_ =	swait.ge @!p0 [sflag:s6], $0x1900  }
0x99: {  	s0 =	sshrl.u32 s0, $0x3;
	s20 =	sand.u32 $0x80, s18;
	[sflag:s6] =	ssyncset.done @!p0 $0x0  }
0x9a: {  	s0 =	sadd.s32 s2, s0;
	s20 =	sshrl.u32 s20, $0x7;
	[sflag:s6] =	ssyncadd.s32 @!p0 $0xFFFFE700  }
0x9b: {  	s25 =	smul.u32 $0x1900, s5;
	s20 =	sadd.s32 s20, s18;
	_ =	swait.ge @!p0 [sflag:s6], $0x1900  }
0x9c: {  	s26 =	smul.u32 $0x32000, s5;
	s20 =	sand.u32 $0xFE, s20;
	[sflag:s6] =	ssyncset.done @!p0 $0x0  }
0x9d: {  	s18 =	ssub.s32 s18, s20;
	s20 =	sshrl.u32 s25, $0x2;
	[sflag:s6] =	ssyncadd.s32 @!p0 $0xFFFFE700  }
0x9e: {  	[tilespmem:s20], [sflag:$0x5] =	stream.linear.gather [hbm4b:s0+s3], $0x640, $0x38;
	[tilespmem:$0x19C80] =	vst v63  }
0x9f: {  	s5 =	sadd.s32 $0x1, s5;
	s18 =	sshll.u32 s18, $0x18;
	_ =	swait.ge [sflag:s16], $0x640  }
0xa0: {  	s28 =	sshra.s32 s18, $0x18;
	s6 =	sshrl.u32 s26, $0x2;
	[sflag:s16] =	ssyncset.done $0x0  }
0xa1: {  	s18 =	sadd.s32 $0x1, s28;
	s6 =	sadd.s32 $0xC80, s6;
	[sflag:s16] =	ssyncadd.s32 $0xFFFFF9C0  }
0xa2: {  	[tilespmem:s6], [sflag:s5] =	stream.indirect.gather [hbm4b:s4+s17], $0x20, s20, s17, $0xb8;
	[tilespmem:$0x19C80] =	vst v63  }
0xa3: {  	s6 =	smul.u32 $0x32000, s28;
	_ =	swait.ge [sflag:s18], $0xC800  }
0xa4: {  	s0 =	sadd.s32 $0x3, s28;
	s20 =	rddreg [dreg:$0x4]  }
0xa5: {  	s5 =	sshra.s32 s6, $0x2;
	s21 =	rddreg [dreg:$0x5];
	[sflag:s18] =	ssyncset.done $0x0  }
0xa6: {  	[sflag:s18] =	ssyncadd.s32 $0xFFFF3800;
	s22 =	sadd.s32 $0xC80, s5;
	s6 =	sadd.s32 s1, s20  }
0xa7: {  	[hbm4b:s6+s3] =	stream.linear.scatter [tilespmem:s22], [sflag:s0], $0x1900, $0x38;
	[tilespmem:$0x19C80] =	vst v63  }
0xa8: {  	s24 =	rddreg [dreg:$0x6];
	s23 =	sadd.s32 $0x2580, s5;
	s20 =	sadd.s32 s1, s21  }
0xa9: {  	[hbm4b:s20+s3] =	stream.linear.scatter [tilespmem:s23], [sflag:s0], $0x1900, $0x38;
	[tilespmem:$0x19C80] =	vst v63  }
0xaa: {  	s25 =	rddreg [dreg:$0x7];
	s18 =	sadd.s32 s1, s24;
	s26 =	sadd.s32 $0x3E80, s5  }
0xab: {  	[hbm4b:s18+s3] =	stream.linear.scatter [tilespmem:s26], [sflag:s0], $0x1900, $0x38;
	[tilespmem:$0x19C80] =	vst v63  }
0xac: {  	s28 =	rddreg [dreg:$0x8];
	s21 =	sadd.s32 $0x5780, s5;
	s6 =	sadd.s32 s1, s25  }
0xad: {  	[hbm4b:s6+s3] =	stream.linear.scatter [tilespmem:s21], [sflag:s0], $0x1900, $0x38;
	[tilespmem:$0x19C80] =	vst v63  }
0xae: {  	s22 =	rddreg [dreg:$0x9];
	s23 =	sadd.s32 $0x7080, s5;
	s18 =	sadd.s32 s1, s28  }
0xaf: {  	[hbm4b:s18+s3] =	stream.linear.scatter [tilespmem:s23], [sflag:s0], $0x1900, $0x38;
	[tilespmem:$0x19C80] =	vst v63  }
0xb0: {  	s24 =	rddreg [dreg:$0xa];
	s25 =	sadd.s32 $0x8980, s5;
	s6 =	sadd.s32 s1, s22  }
0xb1: {  	[hbm4b:s6+s3] =	stream.linear.scatter [tilespmem:s25], [sflag:s0], $0x1900, $0x38;
	[tilespmem:$0x19C80] =	vst v63  }
0xb2: {  	s26 =	rddreg [dreg:$0xb];
	s28 =	sadd.s32 $0xA280, s5;
	s18 =	sadd.s32 s1, s24  }
0xb3: {  	[hbm4b:s18+s3] =	stream.linear.scatter [tilespmem:s28], [sflag:s0], $0x1900, $0x38;
	[tilespmem:$0x19C80] =	vst v63  }
0xb4: {  	s5 =	sadd.s32 $0xBB80, s5;
	s6 =	sadd.s32 s1, s26  }
0xb5: {  	[hbm4b:s6+s3] =	stream.linear.scatter [tilespmem:s5], [sflag:s0], $0x1900, $0x38;
	[tilespmem:$0x19C80] =	vst v63  }
0xb6: {  	_ =	swait.ge [sflag:s19], $0xC800  }
0xb7: {  	[sflag:s19] =	ssyncset.done $0x0  }
0xb8: {  	s20 =	simm.s32 $0xD480;
	s18 =	rddreg [dreg:$0xd];
	[sflag:s19] =	ssyncadd.s32 $0xFFFF3800  }
0xb9: {  	[hbm4b:s18+s3] =	stream.linear.scatter [tilespmem:s20], [sflag:$0x4], $0x1900, $0x38;
	[tilespmem:$0x19C80] =	vst v63  }
0xba: {  	s21 =	simm.s32 $0xED80  }
0xbb: {  	[hbm4b:s7+s3] =	stream.linear.scatter [tilespmem:s21], [sflag:$0x4], $0x1900, $0x38;
	[tilespmem:$0x19C80] =	vst v63  }
0xbc: {  	s22 =	simm.s32 $0x10680  }
0xbd: {  	[hbm4b:s8+s3] =	stream.linear.scatter [tilespmem:s22], [sflag:$0x4], $0x1900, $0x38;
	[tilespmem:$0x19C80] =	vst v63  }
0xbe: {  	s23 =	simm.s32 $0x11F80  }
0xbf: {  	[hbm4b:s9+s3] =	stream.linear.scatter [tilespmem:s23], [sflag:$0x4], $0x1900, $0x38;
	[tilespmem:$0x19C80] =	vst v63  }
0xc0: {  	s24 =	simm.s32 $0x13880  }
0xc1: {  	[hbm4b:s10+s3] =	stream.linear.scatter [tilespmem:s24], [sflag:$0x4], $0x1900, $0x38;
	[tilespmem:$0x19C80] =	vst v63  }
0xc2: {  	s25 =	simm.s32 $0x15180  }
0xc3: {  	[hbm4b:s11+s3] =	stream.linear.scatter [tilespmem:s25], [sflag:$0x4], $0x1900, $0x38;
	[tilespmem:$0x19C80] =	vst v63  }
0xc4: {  	s26 =	simm.s32 $0x16A80  }
0xc5: {  	[hbm4b:s12+s3] =	stream.linear.scatter [tilespmem:s26], [sflag:$0x4], $0x1900, $0x38;
	[tilespmem:$0x19C80] =	vst v63  }
0xc6: {  	s28 =	simm.s32 $0x18380  }
0xc7: {  	[hbm4b:s13+s3] =	stream.linear.scatter [tilespmem:s28], [sflag:$0x4], $0x1900, $0x38;
	[tilespmem:$0x19C80] =	vst v63  }
0xc8: {  	_ =	swait.ge [sflag:s29], $0x1900  }
0xc9: {  	[sflag:s29] =	ssyncset.done $0x0  }
0xca: {  	[sflag:s29] =	ssyncadd.s32 $0xFFFFE700  }
0xcb: {  	_ =	swait.ge [sflag:s29], $0x1900  }
0xcc: {  	[sflag:s29] =	ssyncset.done $0x0  }
0xcd: {  	[sflag:s29] =	ssyncadd.s32 $0xFFFFE700  }
0xce: {  	_ =	swait.ge [sflag:s29], $0x1900  }
0xcf: {  	[sflag:s29] =	ssyncset.done $0x0  }
0xd0: {  	[sflag:s29] =	ssyncadd.s32 $0xFFFFE700  }
0xd1: {  	_ =	swait.ge [sflag:s29], $0x1900  }
0xd2: {  	[sflag:s29] =	ssyncset.done $0x0  }
0xd3: {  	[sflag:s29] =	ssyncadd.s32 $0xFFFFE700  }
0xd4: {  	_ =	swait.ge [sflag:s29], $0x1900  }
0xd5: {  	[sflag:s29] =	ssyncset.done $0x0  }
0xd6: {  	[sflag:s29] =	ssyncadd.s32 $0xFFFFE700  }
0xd7: {  	_ =	swait.ge [sflag:s29], $0x1900  }
0xd8: {  	[sflag:s29] =	ssyncset.done $0x0  }
0xd9: {  	[sflag:s29] =	ssyncadd.s32 $0xFFFFE700  }
0xda: {  	_ =	swait.ge [sflag:s29], $0x1900  }
0xdb: {  	[sflag:s29] =	ssyncset.done $0x0  }
0xdc: {  	[sflag:s29] =	ssyncadd.s32 $0xFFFFE700  }
0xdd: {  	_ =	swait.ge [sflag:s29], $0x1900  }
0xde: {  	[sflag:s29] =	ssyncset.done $0x0  }
0xdf: {  	[sflag:s29] =	ssyncadd.s32 $0xFFFFE700  }
0xe0: {  	_ =	swait.ge [sflag:s30], $0x1900  }
0xe1: {  	[sflag:s30] =	ssyncset.done $0x0  }
0xe2: {  	[sflag:s30] =	ssyncadd.s32 $0xFFFFE700  }
0xe3: {  	_ =	swait.ge [sflag:s30], $0x1900  }
0xe4: {  	[sflag:s30] =	ssyncset.done $0x0  }
0xe5: {  	[sflag:s30] =	ssyncadd.s32 $0xFFFFE700  }
0xe6: {  	_ =	swait.ge [sflag:s30], $0x1900  }
0xe7: {  	[sflag:s30] =	ssyncset.done $0x0  }
0xe8: {  	[sflag:s30] =	ssyncadd.s32 $0xFFFFE700  }
0xe9: {  	_ =	swait.ge [sflag:s30], $0x1900  }
0xea: {  	[sflag:s30] =	ssyncset.done $0x0  }
0xeb: {  	[sflag:s30] =	ssyncadd.s32 $0xFFFFE700  }
0xec: {  	_ =	swait.ge [sflag:s30], $0x1900  }
0xed: {  	[sflag:s30] =	ssyncset.done $0x0  }
0xee: {  	[sflag:s30] =	ssyncadd.s32 $0xFFFFE700  }
0xef: {  	_ =	swait.ge [sflag:s30], $0x1900  }
0xf0: {  	[sflag:s30] =	ssyncset.done $0x0  }
0xf1: {  	s31 =	sadd.s32 $0x1, s31;
	[sflag:s30] =	ssyncadd.s32 $0xFFFFE700  }
0xf2: {  	p0 =	sne.s32 s31, s14;
	_ =	swait.ge [sflag:s30], $0x1900  }
.Ltmp1:
0xf3: {  	[sflag:s30] =	ssyncset.done $0x0;
	(pc) =	sbr.rel @p0 .LBB2_1-.Ltmp1, $4  }
0xf4: {  	[sflag:s30] =	ssyncadd.s32 $0xFFFFE700  }
0xf5: {  	_ =	swait.ge [sflag:s30], $0x1900  }
0xf6: {  	[sflag:s30] =	ssyncset.done $0x0  }
0xf7: {  	[sflag:s30] =	ssyncadd.s32 $0xFFFFE700  }
0xf8: {  	_ =	sfence.sel $0x180000  }
0xf9: {  	[bflag:$0x0] =	sbarrier.arrive $0xFFFF  }
0xfa: {  	_ =	strace $0x90000047  }
0xfb: {  	s0 =	stileid.u32;
	[bflag:$0x2] =	sbarrier.arrive $0xFFFF  }
0xfc: {  	p0 =	sne.s32 s0, $0x0;
	s0 =	rddreg [dreg:$0x3]  }
0xfd: {  	s0 =	sadd.s32 @!p0 $0x100000, s0  }
0xfe: {  	[sflag:s0] =	ssyncadd.tile.s32 @!p0 $0x1;
	_ =	shalt  }
.Lfunc_end2:
_tile_overlayer_lowered:
.L_overlay_start_2:
0xff: {  	(tag) =	ssettag $0x2  }
0x100: {  	s0 =	rddreg [dreg:$0x0];
	s2 =	stileid.u32  }
0x101: {  	s1 =	rddreg [dreg:$0x1];
	p0 =	sne.s32 s2, $0x0  }
0x102: {  	s3 =	rddreg [dreg:$0x2];
	[bflag:$0x3] =	sbarrier.arrive $0xFFFF;
	s2 =	simm.s32 @!p0 $0x1C05  }
0x103: {  	[timem:s3], [sflag:s2] =	dma.local @!p0 [hbm:s0], s1  }
0x104: {  	s0 =	simm.s32 @!p0 $0x5  }
0x105: {  	_ =	swait.ge @!p0 [sflag:s0], s1  }
0x106: {  	s1 =	ssub.s32 @!p0 $0x0, s1;
	[sflag:s0] =	ssyncset.done @!p0 $0x0  }
0x107: {  	[sflag:s0] =	ssyncadd.s32 @!p0 s1  }
0x108: {  	[bflag:$0x3] =	sbarrier.arrive $0xFFFF  }
0x109: {  	_ =	shalt  }

// kernel: sparse-core-data-format-call.cloned.1.call-start
scs
called_computation_lowered:
.L_overlay_start_0:
0x0: {  	s2 =	sld [smem:$0x3FD9]  }
0x1: {  	s3 =	sld [smem:$0x3FFE];
	_ =	sdelay $0x1  }
0x2: {  	s1 =	srdreg.scid  }
0x3: {  	s0 =	sand.u32 $0x1, s1  }
0x4: {  	s18 =	sshll.u32 s0, $0xA;
	s2 =	sadd.s32 s3, s2  }
0x5: {  	s2 =	sadd.s32 s2, s18  }
0x6: {  	[smem:$0x3FC6] =	sst s2  }
0x7: {  	_ = 	snop  }
0x8: {  	s2 =	sld [smem:$0x3FD0];
	(tm) =	ssettm $0x1  }
0x9: {  	s19 =	sld [smem:$0x3FFB];
	_ =	sdelay $0x3  }
0xa: {  	_ =	strace s19  }
0xb: {  	s3 =	sld [smem:$0x3FFC];
	_ =	sdelay $0x3  }
0xc: {  	_ =	strace s3  }
0xd: {  	s3 =	sld [smem:$0x3FFD];
	_ =	sdelay $0x3  }
0xe: {  	_ =	strace s3  }
0xf: {  	_ =	strace $0x8FFFFFFF  }
0x10: {  	s20 =	sld [smem:$0x3FDB];
	_ =	sdelay $0x1  }
0x11: {  	s4 =	simm.s32 $_scs_section_size  }
0x12: {  	s5 =	simm.s32 $_size__tile_overlayer_lowered;
	s6 =	simm.s32 $_tile_overlayer_lowered  }
0x13: {  	s23 =	simm.s32 $0x1BFF;
	s22 =	sshll.u32 s6, $0x1;
	s3 =	sadd.s32 s4, s20  }
0x14: {  	s7 =	simm.s32 $0x0;
	s21 =	sshll.u32 s5, $0x1;
	s5 =	sadd.s32 s22, s3  }
0x15: {  	[timem:s7], [sflag:s23] =	dma.local [hbm:s5], s21  }
0x16: {  	_ =	swait.ge [sflag:s23], s21  }
0x17: {  	s4 =	ssub.s32 $0x0, s21;
	[sflag:s23] =	ssyncset.done $0x0  }
0x18: {  	[sflag:s23] =	ssyncadd.s32 s4;
	_ =	sdelay $0x1  }
0x19: {  	s24 =	simm.s32 $0x1B8B  }
0x1a: {  	_ =	swait.ge [sflag:s24], $0x1  }
0x1b: {  	[sflag:s24] =	ssyncset.done $0x0  }
0x1c: {  	s26 =	simm.s32 $0x1B8E;
	s25 =	sld [smem:$0x3FFE];
	[sflag:s24] =	ssyncadd.s32 $0xFFFFFFFF  }
0x1d: {  	s27 =	simm.s32 $execute0_lowered;
	[smem:$0x3FD2] =	sst s26  }
0x1e: {  	s5 =	sshll.u32 s27, $0x1;
	_ =	strace $0x80000049;
	[dreg:$0x1] =	wrdreg $0xFFFFFFFF  }
0x1f: {  	s28 =	simm.s32 $_size_execute0_lowered;
	s3 =	sadd.s32 s3, s5;
	[dreg:$0x0] =	wrdreg $0x0  }
0x20: {  	s5 =	sshll.u32 s28, $0x1;
	[dreg:$0x2] =	wrdreg s3  }
0x21: {  	[dreg:$0x3] =	wrdreg s5  }
0x22: {  	[dreg:$0x4] =	wrdreg $0xC0  }
0x23: {  	_ =	task [dreg:s7], $0x5FFFF  }
0x24: {  	[dreg:$0x1] =	wrdreg $0xFFFFFFFF  }
0x25: {  	[dreg:$0x0] =	wrdreg $0x60  }
0x26: {  	[dreg:$0x2] =	wrdreg s25  }
0x27: {  	[dreg:$0x3] =	wrdreg s2  }
0x28: {  	[dreg:$0x4] =	wrdreg $0x9  }
0x29: {  	_ =	task.clear_ibuf [dreg:s7], $0x5FFFF;
	_ =	strace $0x90000049  }
0x2a: {  	s29 =	simm.s32 $0x9;
	_ =	strace $0x8000004B  }
0x2b: {  	_ =	swait.ge [sflag:s29], $0x1  }
0x2c: {  	[sflag:s29] =	ssyncadd.s32 $0xFFFFFFFF  }
0x2d: {  	_ =	strace $0x9000004B  }
0x2e: {  	_ =	sfence  }
0x2f: {  	s30 =	sld [smem:$0x0];
	_ =	sdelay $0x2  }
0x30: {  	s31 =	sshll.u32 s1, $0xD;
	s1 =	sshrl.u32 s1, $0x2  }
0x31: {  	s3 =	sand.u32 $0x4000, s31;
	s1 =	sadd.s32 s1, s30  }
0x32: {  	s0 =	sor.u32 s3, s0;
	s1 =	sshll.u32 s1, $0x11  }
0x33: {  	s0 =	sor.u32 s1, s0  }
0x34: {  	s0 =	sadd.s32 $0x8F2B, s0  }
0x35: {  	[sflag:s0] =	ssyncadd.remote.s32 $0x1  }
0x36: {  	_ =	sfence.sel $0xFFFF  }
0x37: {  	[dreg:$0x0] =	wrdreg $0xFFFFFFFF;
	(pc) =	sbr.abs _section_cstart, $3  }
0x38: {  	[dreg:$0x1] =	wrdreg $0xFFFFFFFF  }
0x39: {  	_ =	task.clear_ibuf [dreg:s7], $0x2FFFF;
	_ =	strace $0x9FFFFFFF  }
0x3a: {  	(tm) =	ssettm $0x7FFFFFFF  }
0x3b: {  	_ =	shalt  }
tec
execute0_lowered:
.L_overlay_start_1:
0x0: {  	(tag) =	ssettag $0x1  }
0x1: {  	s0 =	srdreg.scid  }
0x2: {  	s1 =	sshll.u32 s0, $0x4  }
0x3: {  	s0 =	stileid.u32;
	s1 =	sand.u32 $0x10, s1  }
0x4: {  	s1 =	sor.u32 s0, s1  }
0x5: {  	s6 =	rddreg [dreg:$0x0];
	s4 =	simm.s32 $0x1;
	s2 =	sshll.u32 s1, $0x7  }
0x6: {  	s7 =	simm.s32 $0x2;
	s12 =	simm.s32 $0x0;
	s1 =	ssub.s32 $0x1000, s2  }
0x7: {  	s8 =	simm.s32 $0x8000;
	s13 =	simm.s32 $0x0;
	s3 =	sand.u32 $0xF80, s1  }
0x8: {  	s9 =	simm.s32 $0x0;
	s5 =	sshrl.u32 s1, $0xC;
	p0 =	sne.s32 s3, $0x0  }
.Ltmp0:
0x9: {  	s1 =	rddreg [dreg:$0x2];
	s4 =	simm.s32 @!p0 $0x0;
	(pc) =	sbr.rel .LBB1_1-.Ltmp0, $4  }
0xa: {  	s11 =	simm.s32 $0x0;
	s3 =	rddreg [dreg:$0x1];
	s5 =	sadd.s32 s4, s5  }
0xb: {  	_ =	strace $0x8000004A;
	s4 =	simm.s32 $0x1;
	s5 =	smul.u32 $0xC8, s5  }
0xc: {  	s6 =	sadd.s32 $0x800, s6;
	s10 =	smov.u32 s2;
	[sflag:s4] =	ssyncpa.u1 $0x0  }
0xd: {  	p0 =	por $0x0, $0x0;
	[sflag:s7] =	ssyncpa.u1 $0x0;
	s7 =	sor.u32 $0x1, s5  }
.LBB1_4:
0xe: {  	s16 =	sshll.u32 s13, $0x3;
	s17 =	sand.u32 $0x78, s13  }
0xf: {  	s30 =	sand.u32 $0x3E00, s13;
	s12 =	sshll.u32 s12, $0xE;
	s16 =	sand.u32 $0xC00, s16  }
0x10: {  	s31 =	sand.u32 $0x7, s13;
	s16 =	sor.u32 s17, s16;
	s17 =	sadd.s32 s3, s30  }
0x11: {  	s13 =	sshll.u32 s31, $0x12;
	s16 =	sshrl.u32 s16, $0x3;
	s12 =	sadd.s32 s12, s17  }
0x12: {  	[tilespmem:s15+$0x0 ss:$0x81] =	vst.msk $0xffff, v0;
	s13 =	sor.u32 $0x400, s13;
	s12 =	sadd.s32 s16, s12  }
0x13: {  	[hbm4b:s12+s13] =	stream.strided.scatter [tilespmem:s14], [sflag:$0x2], $0x1000, s8, s13, $0x20;
	[tilespmem:$0x4040] =	vst v63  }
.LBB1_5:
0x14: {  	s14 =	sadd.s32 $0x1, s9  }
0x15: {  	s12 =	sadd.s32 $0x1000, s10;
	s16 =	smov.u32 s10;
	p2 =	sgt.s32 s14, $0xC7  }
0x16: {  	s16 =	smov.u32 @p2 s12  }
0x17: {  	s14 =	simm.s32 @p2 $0x0;
	p2 =	sgt.s32 s16, $0xFFF  }
0x18: {  	s16 =	smov.u32 @p2 s2;
	p2 =	sne.s32 s11, s7  }
.Ltmp1:
0x19: {  	p1 =	slt.u32 s11, $0x2;
	(pc) =	sbr.rel @!p2 .LBB1_6-.Ltmp1, $4  }
0x1a: {  	s15 =	simm.s32 @!p1 $0x2  }
0x1b: {  	s13 =	smov.u32 s10;
	p0 =	por !p0, !p0;
	_ =	swait.ge @!p1 [sflag:s15], $0x1000  }
0x1c: {  	s12 =	smov.u32 s9;
	[sflag:s15] =	ssyncset.done @!p1 $0x0;
	s9 =	smov.u32 s14  }
0x1d: {  	s11 =	sadd.s32 $0x1, s11;
	[sflag:s15] =	ssyncadd.s32 @!p1 $0xFFFFF000;
	s10 =	smov.u32 s16  }
.LBB1_1:
0x1e: {  	p1 =	sge.u32 s11, s5  }
0x1f: {  	s14 =	sand.u32 @!p1 $0x1FFFFFF, s9  }
0x20: {  	s15 =	smulhi.u32 @!p1 $0x147AE15, s14;
	_ =	sdelay $0x1  }
0x21: {  	s15 =	smul.u32 @!p1 $0xC8, s15  }
0x22: {  	s16 =	sxor.u32 @!p1 $0xFFFFFFFF, s11;
	s17 =	smul.u32 @!p1 $0xC80, s10  }
0x23: {  	s31 =	sadd.s32 $0xFFFFFFFF, s11;
	s16 =	sshll.u32 @!p1 s16, $0xC;
	s14 =	ssub.s32 @!p1 s14, s15  }
0x24: {  	s15 =	sand.u32 @!p1 $0x1000, s16;
	s16 =	sadd.s32 @!p1 s6, s17;
	s14 =	sshll.u32 @!p1 s14, $0x4  }
0x25: {  	s17 =	simm.s32 @!p1 $0x6400;
	s14 =	sadd.s32 @!p1 s14, s16;
	s16 =	simm.s32 @!p1 $0x20  }
0x26: {  	[tilespmem:s15], [sflag:$0x1] =	stream.strided.gather @!p1 [hbm4b:s14+s16], $0x1000, s17, s16, $0x38;
	[tilespmem:$0x4040] =	vst v63  }
0x27: {  	p1 =	sge.u32 s31, s5  }
.Ltmp2:
0x28: {  	_ = 	snop;
	(pc) =	sbr.rel @p1 .LBB1_5-.Ltmp2, $1  }
0x29: {  	_ =	sdelay $0x3  }
0x2a: {  	s14 =	simm.s32 $0x1  }
0x2b: {  	_ =	swait.ge [sflag:s4], $0x1000;
	s14 =	simm.s32 @!p0 $0x0  }
0x2c: {  	[sflag:s4] =	ssyncset.done $0x0;
	s15 =	sshll.u32 s14, $0xC  }
0x2d: {  	[sflag:s4] =	ssyncadd.s32 $0xFFFFF000;
	s18 =	sor.u32 $0x10, s15  }
0x2e: {  	s14 =	smul.u32 $0x4080, s14;
	v1 =	vld [tilespmem:s18+$0x0]  }
0x2f: {  	s30 =	sand.u32 $0x1, s11;
	v0 =	vld [tilespmem:s18+$0xFFFFFFF0]  }
0x30: {  	s15 =	smul.u32 $0x4080, s30;
	s14 =	sshrl.u32 s14, $0x2  }
0x31: {  	s16 =	sor.u32 $0x2000, s14  }
0x32: {  	s31 =	sshrl.u32 s15, $0x2;
	s15 =	sadd.s32 $0x0, s16  }
0x33: {  	s17 =	simm.s32 $0x4;
	s18 =	sadd.s32 $0x20, s18;
	s14 =	sor.u32 $0x2000, s31;
	[tilespmem:s15+$0x810 ss:$0x81] =	vst.msk $0xffff, v1  }
.LBB1_3:
0x34: {  	v1 =	vld [tilespmem:s18+$0x0];
	p1 =	sne.s32 s17, $0x1FC;
	[tilespmem:s15+$0x0 ss:$0x81] =	vst.msk $0xffff, v0;
	s15 =	smov.u32 s17;
	s17 =	sadd.s32 $0x4, s17  }
.Ltmp3:
0x35: {  	v0 =	vld [tilespmem:s18+$0xFFFFFFF0];
	(pc) =	sbr.rel @p1 .LBB1_3-.Ltmp3, $4  }
0x36: {  	_ = 	snop  }
0x37: {  	s15 =	sshra.s32 s15, $0x2  }
0x38: {  	s15 =	sadd.s32 s15, s16  }
0x39: {  	s18 =	sadd.s32 $0x20, s18;
	[tilespmem:s15+$0x810 ss:$0x81] =	vst.msk $0xffff, v1  }
.Ltmp4:
0x3a: {  	_ = 	snop;
	(pc) =	sbr.rel .LBB1_4-.Ltmp4, $1  }
0x3b: {  	_ =	sdelay $0x3  }
.LBB1_6:
0x3c: {  	_ =	sfence.sel $0x180000  }
0x3d: {  	s2 =	simm.s32 $0x1;
	[bflag:$0x0] =	sbarrier.arrive $0xFFFF  }
0x3e: {  	s31 =	simm.s32 $0x2;
	[sflag:s2] =	ssyncpa.u1 $0x1  }
0x3f: {  	[sflag:s31] =	ssyncpa.u1 $0x1  }
0x40: {  	p0 =	sne.s32 s0, $0x0;
	_ =	strace $0x9000004A  }
0x41: {  	s0 =	sadd.s32 @!p0 $0x100000, s1;
	[bflag:$0x2] =	sbarrier.arrive $0xFFFF  }
0x42: {  	[sflag:s0] =	ssyncadd.tile.s32 @!p0 $0x1;
	_ =	shalt  }
.Lfunc_end1:
_tile_overlayer_lowered:
.L_overlay_start_2:
0x43: {  	(tag) =	ssettag $0x2  }
0x44: {  	s0 =	rddreg [dreg:$0x0];
	s2 =	stileid.u32  }
0x45: {  	s1 =	rddreg [dreg:$0x1];
	p0 =	sne.s32 s2, $0x0  }
0x46: {  	s3 =	rddreg [dreg:$0x2];
	[bflag:$0x3] =	sbarrier.arrive $0xFFFF;
	s2 =	simm.s32 @!p0 $0x1C01  }
0x47: {  	[timem:s3], [sflag:s2] =	dma.local @!p0 [hbm:s0], s1  }
0x48: {  	s0 =	simm.s32 @!p0 $0x1  }
0x49: {  	_ =	swait.ge @!p0 [sflag:s0], s1  }
0x4a: {  	s1 =	ssub.s32 @!p0 $0x0, s1;
	[sflag:s0] =	ssyncset.done @!p0 $0x0  }
0x4b: {  	[sflag:s0] =	ssyncadd.s32 @!p0 s1  }
0x4c: {  	[bflag:$0x3] =	sbarrier.arrive $0xFFFF  }
0x4d: {  	_ =	shalt  }

</sc_bundles>
